<compile_context>
chip_gen: v7x
topology: tpu7x:2x2x1
jax: 0.10.2.dev20260603
libtpu: 0.0.44.dev20260713+nightly
codegen_flags: <defaults>
</compile_context>

<pallas_src>
import functools

import jax
import jax.numpy as jnp
from jax import lax
from jax.experimental import pallas as pl
from jax.experimental.pallas import tpu as pltpu
from jax.experimental.pallas import tpu_sc as plsc

_B = 4096
_N = 1000
_LANES = 16
_ROWS_PER_W = 32
_CHUNK = 8
_NCHUNKS = _ROWS_PER_W // _CHUNK


def _remap_body(nc, xt_hbm, map_hbm, out_hbm,
                idx_raw, idx_c, rows_v,
                sem_in0, sem_in1, sem_out0, sem_out1):
    cid = lax.axis_index("c")
    sid = lax.axis_index("s")
    wid = sid * nc + cid
    base = jnp.minimum(wid * _ROWS_PER_W, _N - _ROWS_PER_W)

    pltpu.sync_copy(map_hbm.at[pl.ds(base, _ROWS_PER_W)],
                    idx_raw.at[pl.ds(8, _ROWS_PER_W)])
    for v in range(_ROWS_PER_W // _LANES):
        idx_c[pl.ds(v * _LANES, _LANES)] = jnp.minimum(
            idx_raw[pl.ds(8 + v * _LANES, _LANES)], _N - 1)

    sem_in = (sem_in0, sem_in1)
    sem_out = (sem_out0, sem_out1)
    zeros = jnp.zeros((_LANES,), jnp.float32)

    def start_in(c):
        return pltpu.async_copy(
            xt_hbm.at[idx_c.at[pl.ds(c * _CHUNK, _CHUNK)]],
            rows_v.at[c % 3], sem_in[c % 2])

    pending_in = {0: start_in(0), 1: start_in(1)}
    pending_out = {}

    sentinels = [
        lax.reduce_max(
            plsc.load_gather(
                idx_raw, [jnp.full((_LANES,), 8 + i, jnp.int32)]),
            (0,))
        for i in range(_ROWS_PER_W)
    ]

    for c in range(_NCHUNKS):
        ph = c % 3
        pending_in.pop(c).wait()
        for r in range(_CHUNK):
            @pl.when(sentinels[c * _CHUNK + r] >= _N)
            def _():
                def zstep(i, _):
                    rows_v[ph, r, pl.ds(i * _LANES, _LANES)] = zeros
                    return 0
                lax.fori_loop(0, _B // _LANES, zstep, 0)
        pending_out[c] = pltpu.async_copy(
            rows_v.at[ph],
            out_hbm.at[pl.ds(base + c * _CHUNK, _CHUNK)], sem_out[c % 2])
        if c + 2 < _NCHUNKS:
            if c - 1 in pending_out:
                pending_out.pop(c - 1).wait()
            pending_in[c + 2] = start_in(c + 2)

    for c in sorted(pending_out):
        pending_out.pop(c).wait()


def kernel(x, mapping):
    mapping = mapping.astype(jnp.int32)

    info = plsc.get_sparse_core_info()
    nw = info.num_cores * info.num_subcores
    assert nw * _ROWS_PER_W >= _N

    mesh = plsc.VectorSubcoreMesh(core_axis_name="c", subcore_axis_name="s")
    f = pl.kernel(
        functools.partial(_remap_body, info.num_cores),
        out_type=jax.ShapeDtypeStruct((_N, _B), jnp.float32),
        mesh=mesh,
        compiler_params=pltpu.CompilerParams(needs_layout_passes=False),
        scratch_types=[
            pltpu.VMEM((8 + _ROWS_PER_W,), jnp.int32),
            pltpu.VMEM((_ROWS_PER_W,), jnp.int32),
            pltpu.VMEM((3, _CHUNK, _B), jnp.float32),
            pltpu.SemaphoreType.DMA,
            pltpu.SemaphoreType.DMA,
            pltpu.SemaphoreType.DMA,
            pltpu.SemaphoreType.DMA,
        ],
    )
    return f(x.T, mapping).T

# --- scband reference (transcript-rebuilt; emitter-appended) ---
"""Pipeline reference for scband-remap-layer-73761768342005 (READ-ONLY COPY).

The authoritative reference and input builder live on the scoring server;
editing this copy changes nothing except your own understanding.
"""

import jax, jax.numpy as jnp
import numpy as np

NUM_CLASSES = 1000
MAP_LEN = 1000
BATCH = 4096

def setup_inputs(seed: int = 0) -> dict:
    key = jax.random.key(seed)
    kx, km = jax.random.split(key)
    x = jax.random.normal(kx, (BATCH, NUM_CLASSES), dtype=jnp.float32)
    # mapping emulates the file contents: MAP_LEN ints in [0, NUM_CLASSES],
    # where value NUM_CLASSES points at the appended dummy zero column
    mapping = jax.random.randint(km, (MAP_LEN,), 0, NUM_CLASSES + 1).astype(jnp.int64)
    return {"x": x, "mapping": mapping}

def reference(x, mapping):
    B = x.shape[0]
    dummy_cls = jnp.zeros((B, 1), dtype=x.dtype)
    expand_x = jnp.concatenate([x, dummy_cls], axis=1)
    return jnp.take(expand_x, mapping, axis=1)

if __name__ == "__main__":
    import jax
    _d = setup_inputs()
    print(jax.jit(kernel)(*tuple(_d.values())))

</pallas_src>

<mosaic_0001>
#map = affine_map<(d0, d1) -> (0, 0)>
#map1 = affine_map<(d0, d1) -> (0)>
module attributes {stable_mosaic.version = 14 : i64} {
  func.func @_remap_body(%arg0: i32, %arg1: i32, %arg2: memref<1000x4096xf32, #tpu.memory_space<hbm>>, %arg3: memref<1000xi32, #tpu.memory_space<hbm>>, %arg4: memref<1000x4096xf32, #tpu.memory_space<hbm>>, %arg5: memref<40xi32, #tpu.memory_space<vmem>>, %arg6: memref<32xi32, #tpu.memory_space<vmem>>, %arg7: memref<3x8x4096xf32, #tpu.memory_space<vmem>>, %arg8: memref<!tpu.dma_semaphore, #tpu.memory_space<semaphore_mem>>, %arg9: memref<!tpu.dma_semaphore, #tpu.memory_space<semaphore_mem>>, %arg10: memref<!tpu.dma_semaphore, #tpu.memory_space<semaphore_mem>>, %arg11: memref<!tpu.dma_semaphore, #tpu.memory_space<semaphore_mem>>) attributes {dimension_semantics = [#tpu.dimension_semantics<core_parallel>, #tpu.dimension_semantics<subcore_parallel>], iteration_bounds = array<i64: 2, 16>, scalar_prefetch = 0 : i64, scratch_operands = 7 : i64, tpu.core_type = #tpu.core_type<sc_vector_subcore>, window_params = [{transform_indices = #map}, {transform_indices = #map1}, {transform_indices = #map}]} {
    %mul3A = arith.constant 2 : i32
    %mul3A_0 = arith.muli %arg1, %mul3A : i32
    %add3A = arith.addi %mul3A_0, %arg0 : i32
    %mul3A_1 = arith.constant 32 : i32
    %mul3A_2 = arith.muli %add3A, %mul3A_1 : i32
    %min3A = arith.constant 968 : i32
    %min3A_3 = arith.minsi %mul3A_2, %min3A : i32
    "tpu.region"() ({
      %run_scoped3A = tpu.sem_alloc : memref<!tpu.dma_semaphore, #tpu.memory_space<semaphore_mem>>
      %dma_start3A_714 = arith.constant 8 : i32
      %dma_start3A_715 = tpu.memref_slice %arg5[%dma_start3A_714] : memref<40xi32, #tpu.memory_space<vmem>> -> memref<32xi32, #tpu.memory_space<vmem>>
      %dma_start3A_716 = tpu.memref_slice %arg3[%min3A_3] : memref<1000xi32, #tpu.memory_space<hbm>> -> memref<32xi32, #tpu.memory_space<hbm>>
      %dma_start3A_717 = arith.constant 8 : i32
      %dma_start3A_718 = tpu.memref_slice %arg5[%dma_start3A_717] : memref<40xi32, #tpu.memory_space<vmem>> -> memref<32xi32, #tpu.memory_space<vmem>>
      %dma_start3A_719 = tpu.memref_slice %arg3[%min3A_3] : memref<1000xi32, #tpu.memory_space<hbm>> -> memref<32xi32, #tpu.memory_space<hbm>>
      tpu.enqueue_dma source(%dma_start3A_719 : memref<32xi32, #tpu.memory_space<hbm>>) target(%dma_start3A_718 : memref<32xi32, #tpu.memory_space<vmem>>) target_semaphore(%run_scoped3A : memref<!tpu.dma_semaphore, #tpu.memory_space<semaphore_mem>>)
      %dma_wait3A_720 = arith.constant 8 : i32
      %dma_wait3A_721 = tpu.memref_slice %arg5[%dma_wait3A_720] : memref<40xi32, #tpu.memory_space<vmem>> -> memref<32xi32, #tpu.memory_space<vmem>>
      %dma_wait3A_722 = tpu.memref_slice %arg3[%min3A_3] : memref<1000xi32, #tpu.memory_space<hbm>> -> memref<32xi32, #tpu.memory_space<hbm>>
      %dma_wait3A_723 = arith.constant 8 : i32
      %dma_wait3A_724 = tpu.memref_slice %arg5[%dma_wait3A_723] : memref<40xi32, #tpu.memory_space<vmem>> -> memref<32xi32, #tpu.memory_space<vmem>>
      %dma_wait3A_725 = tpu.memref_slice %arg3[%min3A_3] : memref<1000xi32, #tpu.memory_space<hbm>> -> memref<32xi32, #tpu.memory_space<hbm>>
      tpu.wait_dma2 semaphore(%run_scoped3A : memref<!tpu.dma_semaphore, #tpu.memory_space<semaphore_mem>>) src(%dma_wait3A_725 : memref<32xi32, #tpu.memory_space<hbm>>) dst(%dma_wait3A_724 : memref<32xi32, #tpu.memory_space<vmem>>)
      tpu.yield
    }) : () -> ()
    %get3A = arith.constant 8 : index
    %get3A_4 = tpu.vector_load %arg5[%get3A] {strides = array<i32>} : memref<40xi32, #tpu.memory_space<vmem>>, vector<16xi32>,
    %min3A_5 = arith.constant 999 : i32
    %min3A_6 = vector.broadcast %min3A_5 : i32 to vector<16xi32>
    %min3A_7 = arith.minsi %get3A_4, %min3A_6 : vector<16xi32>
    %swap3A = arith.constant 0 : index
    %swap3A_8 = tpu.vector_load %arg6[%swap3A] {strides = array<i32>} : memref<32xi32, #tpu.memory_space<vmem>>, vector<16xi32>,
    tpu.vector_store %arg6[%swap3A], %min3A_7 {strides = array<i32>} : memref<32xi32, #tpu.memory_space<vmem>>, vector<16xi32>,
    %get3A_9 = arith.constant 24 : index
    %get3A_10 = tpu.vector_load %arg5[%get3A_9] {strides = array<i32>} : memref<40xi32, #tpu.memory_space<vmem>>, vector<16xi32>,
    %min3A_11 = arith.constant 999 : i32
    %min3A_12 = vector.broadcast %min3A_11 : i32 to vector<16xi32>
    %min3A_13 = arith.minsi %get3A_10, %min3A_12 : vector<16xi32>
    %swap3A_14 = arith.constant 16 : index
    %swap3A_15 = tpu.vector_load %arg6[%swap3A_14] {strides = array<i32>} : memref<32xi32, #tpu.memory_space<vmem>>, vector<16xi32>,
    tpu.vector_store %arg6[%swap3A_14], %min3A_13 {strides = array<i32>} : memref<32xi32, #tpu.memory_space<vmem>>, vector<16xi32>,
    %broadcast_in_dim3A = arith.constant 0.000000e+00 : f32
    %broadcast_in_dim3A_16 = vector.broadcast %broadcast_in_dim3A : f32 to vector<16xf32>
    %dma_start3A = arith.constant 0 : i32
    %dma_start3A_17 = arith.constant 0 : i32
    %dma_start3A_18 = arith.constant 0 : i32
    %dma_start3A_19 = tpu.memref_slice %arg7[%dma_start3A, %dma_start3A_17, %dma_start3A_18] : memref<3x8x4096xf32, #tpu.memory_space<vmem>> -> memref<1x8x4096xf32, #tpu.memory_space<vmem>>
    %dma_start3A_20 = tpu.memref_squeeze %dma_start3A_19 : memref<1x8x4096xf32, #tpu.memory_space<vmem>> -> memref<8x4096xf32, #tpu.memory_space<vmem>>
    %dma_start3A_21 = arith.constant 0 : i32
    %dma_start3A_22 = tpu.memref_slice %arg6[%dma_start3A_21] : memref<32xi32, #tpu.memory_space<vmem>> -> memref<8xi32, #tpu.memory_space<vmem>>
    %dma_start3A_23 = arith.constant 0 : i32
    %dma_start3A_24 = arith.constant 0 : i32
    %dma_start3A_25 = tpu.memref_slice %arg2[%dma_start3A_23, %dma_start3A_24] : memref<1000x4096xf32, #tpu.memory_space<hbm>> -> memref<1000x4096xf32, #tpu.memory_space<hbm>>
    tpu.enqueue_indirect_dma source(%dma_start3A_25 : memref<1000x4096xf32, #tpu.memory_space<hbm>>) target(%dma_start3A_20 : memref<8x4096xf32, #tpu.memory_space<vmem>>) offsets(%dma_start3A_22 : memref<8xi32, #tpu.memory_space<vmem>>) semaphore(%arg8 : memref<!tpu.dma_semaphore, #tpu.memory_space<semaphore_mem>>)
    %dma_start3A_26 = arith.constant 1 : i32
    %dma_start3A_27 = arith.constant 0 : i32
    %dma_start3A_28 = arith.constant 0 : i32
    %dma_start3A_29 = tpu.memref_slice %arg7[%dma_start3A_26, %dma_start3A_27, %dma_start3A_28] : memref<3x8x4096xf32, #tpu.memory_space<vmem>> -> memref<1x8x4096xf32, #tpu.memory_space<vmem>>
    %dma_start3A_30 = tpu.memref_squeeze %dma_start3A_29 : memref<1x8x4096xf32, #tpu.memory_space<vmem>> -> memref<8x4096xf32, #tpu.memory_space<vmem>>
    %dma_start3A_31 = arith.constant 8 : i32
    %dma_start3A_32 = tpu.memref_slice %arg6[%dma_start3A_31] : memref<32xi32, #tpu.memory_space<vmem>> -> memref<8xi32, #tpu.memory_space<vmem>>
    %dma_start3A_33 = arith.constant 0 : i32
    %dma_start3A_34 = arith.constant 0 : i32
    %dma_start3A_35 = tpu.memref_slice %arg2[%dma_start3A_33, %dma_start3A_34] : memref<1000x4096xf32, #tpu.memory_space<hbm>> -> memref<1000x4096xf32, #tpu.memory_space<hbm>>
    tpu.enqueue_indirect_dma source(%dma_start3A_35 : memref<1000x4096xf32, #tpu.memory_space<hbm>>) target(%dma_start3A_30 : memref<8x4096xf32, #tpu.memory_space<vmem>>) offsets(%dma_start3A_32 : memref<8xi32, #tpu.memory_space<vmem>>) semaphore(%arg9 : memref<!tpu.dma_semaphore, #tpu.memory_space<semaphore_mem>>)
    %broadcast_in_dim3A_36 = arith.constant 8 : i32
    %broadcast_in_dim3A_37 = vector.broadcast %broadcast_in_dim3A_36 : i32 to vector<16xi32>
    %gather3A = tpu.vector_load_idx %arg5[%broadcast_in_dim3A_37] : memref<40xi32, #tpu.memory_space<vmem>>[vector<16xi32>], vector<16xi32>,
    %reduce_max3A = arith.constant true
    %reduce_max3A_38 = vector.broadcast %reduce_max3A : i1 to vector<16xi1>
    %reduce_max3A_39 = arith.constant -2147483648 : i32
    %reduce_max3A_40 = vector.broadcast %reduce_max3A_39 : i32 to vector<16xi32>
    %reduce_max3A_41 = arith.xori %gather3A, %reduce_max3A_40 : vector<16xi32>
    %reduce_max3A_42 = tpu.scan <max>, %reduce_max3A_41 masked %reduce_max3A_38 : vector<16xi32>, vector<16xi1> -> vector<16xi32>
    %reduce_max3A_43 = arith.xori %reduce_max3A_42, %reduce_max3A_40 : vector<16xi32>
    %reduce_max3A_44 = vector.extract %reduce_max3A_43[15] : i32 from vector<16xi32>
    %broadcast_in_dim3A_45 = arith.constant 9 : i32
    %broadcast_in_dim3A_46 = vector.broadcast %broadcast_in_dim3A_45 : i32 to vector<16xi32>
    %gather3A_47 = tpu.vector_load_idx %arg5[%broadcast_in_dim3A_46] : memref<40xi32, #tpu.memory_space<vmem>>[vector<16xi32>], vector<16xi32>,
    %reduce_max3A_48 = arith.constant true
    %reduce_max3A_49 = vector.broadcast %reduce_max3A_48 : i1 to vector<16xi1>
    %reduce_max3A_50 = arith.constant -2147483648 : i32
    %reduce_max3A_51 = vector.broadcast %reduce_max3A_50 : i32 to vector<16xi32>
    %reduce_max3A_52 = arith.xori %gather3A_47, %reduce_max3A_51 : vector<16xi32>
    %reduce_max3A_53 = tpu.scan <max>, %reduce_max3A_52 masked %reduce_max3A_49 : vector<16xi32>, vector<16xi1> -> vector<16xi32>
    %reduce_max3A_54 = arith.xori %reduce_max3A_53, %reduce_max3A_51 : vector<16xi32>
    %reduce_max3A_55 = vector.extract %reduce_max3A_54[15] : i32 from vector<16xi32>
    %broadcast_in_dim3A_56 = arith.constant 10 : i32
    %broadcast_in_dim3A_57 = vector.broadcast %broadcast_in_dim3A_56 : i32 to vector<16xi32>
    %gather3A_58 = tpu.vector_load_idx %arg5[%broadcast_in_dim3A_57] : memref<40xi32, #tpu.memory_space<vmem>>[vector<16xi32>], vector<16xi32>,
    %reduce_max3A_59 = arith.constant true
    %reduce_max3A_60 = vector.broadcast %reduce_max3A_59 : i1 to vector<16xi1>
    %reduce_max3A_61 = arith.constant -2147483648 : i32
    %reduce_max3A_62 = vector.broadcast %reduce_max3A_61 : i32 to vector<16xi32>
    %reduce_max3A_63 = arith.xori %gather3A_58, %reduce_max3A_62 : vector<16xi32>
    %reduce_max3A_64 = tpu.scan <max>, %reduce_max3A_63 masked %reduce_max3A_60 : vector<16xi32>, vector<16xi1> -> vector<16xi32>
    %reduce_max3A_65 = arith.xori %reduce_max3A_64, %reduce_max3A_62 : vector<16xi32>
    %reduce_max3A_66 = vector.extract %reduce_max3A_65[15] : i32 from vector<16xi32>
    %broadcast_in_dim3A_67 = arith.constant 11 : i32
    %broadcast_in_dim3A_68 = vector.broadcast %broadcast_in_dim3A_67 : i32 to vector<16xi32>
    %gather3A_69 = tpu.vector_load_idx %arg5[%broadcast_in_dim3A_68] : memref<40xi32, #tpu.memory_space<vmem>>[vector<16xi32>], vector<16xi32>,
    %reduce_max3A_70 = arith.constant true
    %reduce_max3A_71 = vector.broadcast %reduce_max3A_70 : i1 to vector<16xi1>
    %reduce_max3A_72 = arith.constant -2147483648 : i32
    %reduce_max3A_73 = vector.broadcast %reduce_max3A_72 : i32 to vector<16xi32>
    %reduce_max3A_74 = arith.xori %gather3A_69, %reduce_max3A_73 : vector<16xi32>
    %reduce_max3A_75 = tpu.scan <max>, %reduce_max3A_74 masked %reduce_max3A_71 : vector<16xi32>, vector<16xi1> -> vector<16xi32>
    %reduce_max3A_76 = arith.xori %reduce_max3A_75, %reduce_max3A_73 : vector<16xi32>
    %reduce_max3A_77 = vector.extract %reduce_max3A_76[15] : i32 from vector<16xi32>
    %broadcast_in_dim3A_78 = arith.constant 12 : i32
    %broadcast_in_dim3A_79 = vector.broadcast %broadcast_in_dim3A_78 : i32 to vector<16xi32>
    %gather3A_80 = tpu.vector_load_idx %arg5[%broadcast_in_dim3A_79] : memref<40xi32, #tpu.memory_space<vmem>>[vector<16xi32>], vector<16xi32>,
    %reduce_max3A_81 = arith.constant true
    %reduce_max3A_82 = vector.broadcast %reduce_max3A_81 : i1 to vector<16xi1>
    %reduce_max3A_83 = arith.constant -2147483648 : i32
    %reduce_max3A_84 = vector.broadcast %reduce_max3A_83 : i32 to vector<16xi32>
    %reduce_max3A_85 = arith.xori %gather3A_80, %reduce_max3A_84 : vector<16xi32>
    %reduce_max3A_86 = tpu.scan <max>, %reduce_max3A_85 masked %reduce_max3A_82 : vector<16xi32>, vector<16xi1> -> vector<16xi32>
    %reduce_max3A_87 = arith.xori %reduce_max3A_86, %reduce_max3A_84 : vector<16xi32>
    %reduce_max3A_88 = vector.extract %reduce_max3A_87[15] : i32 from vector<16xi32>
    %broadcast_in_dim3A_89 = arith.constant 13 : i32
    %broadcast_in_dim3A_90 = vector.broadcast %broadcast_in_dim3A_89 : i32 to vector<16xi32>
    %gather3A_91 = tpu.vector_load_idx %arg5[%broadcast_in_dim3A_90] : memref<40xi32, #tpu.memory_space<vmem>>[vector<16xi32>], vector<16xi32>,
    %reduce_max3A_92 = arith.constant true
    %reduce_max3A_93 = vector.broadcast %reduce_max3A_92 : i1 to vector<16xi1>
    %reduce_max3A_94 = arith.constant -2147483648 : i32
    %reduce_max3A_95 = vector.broadcast %reduce_max3A_94 : i32 to vector<16xi32>
    %reduce_max3A_96 = arith.xori %gather3A_91, %reduce_max3A_95 : vector<16xi32>
    %reduce_max3A_97 = tpu.scan <max>, %reduce_max3A_96 masked %reduce_max3A_93 : vector<16xi32>, vector<16xi1> -> vector<16xi32>
    %reduce_max3A_98 = arith.xori %reduce_max3A_97, %reduce_max3A_95 : vector<16xi32>
    %reduce_max3A_99 = vector.extract %reduce_max3A_98[15] : i32 from vector<16xi32>
    %broadcast_in_dim3A_100 = arith.constant 14 : i32
    %broadcast_in_dim3A_101 = vector.broadcast %broadcast_in_dim3A_100 : i32 to vector<16xi32>
    %gather3A_102 = tpu.vector_load_idx %arg5[%broadcast_in_dim3A_101] : memref<40xi32, #tpu.memory_space<vmem>>[vector<16xi32>], vector<16xi32>,
    %reduce_max3A_103 = arith.constant true
    %reduce_max3A_104 = vector.broadcast %reduce_max3A_103 : i1 to vector<16xi1>
    %reduce_max3A_105 = arith.constant -2147483648 : i32
    %reduce_max3A_106 = vector.broadcast %reduce_max3A_105 : i32 to vector<16xi32>
    %reduce_max3A_107 = arith.xori %gather3A_102, %reduce_max3A_106 : vector<16xi32>
    %reduce_max3A_108 = tpu.scan <max>, %reduce_max3A_107 masked %reduce_max3A_104 : vector<16xi32>, vector<16xi1> -> vector<16xi32>
    %reduce_max3A_109 = arith.xori %reduce_max3A_108, %reduce_max3A_106 : vector<16xi32>
    %reduce_max3A_110 = vector.extract %reduce_max3A_109[15] : i32 from vector<16xi32>
    %broadcast_in_dim3A_111 = arith.constant 15 : i32
    %broadcast_in_dim3A_112 = vector.broadcast %broadcast_in_dim3A_111 : i32 to vector<16xi32>
    %gather3A_113 = tpu.vector_load_idx %arg5[%broadcast_in_dim3A_112] : memref<40xi32, #tpu.memory_space<vmem>>[vector<16xi32>], vector<16xi32>,
    %reduce_max3A_114 = arith.constant true
    %reduce_max3A_115 = vector.broadcast %reduce_max3A_114 : i1 to vector<16xi1>
    %reduce_max3A_116 = arith.constant -2147483648 : i32
    %reduce_max3A_117 = vector.broadcast %reduce_max3A_116 : i32 to vector<16xi32>
    %reduce_max3A_118 = arith.xori %gather3A_113, %reduce_max3A_117 : vector<16xi32>
    %reduce_max3A_119 = tpu.scan <max>, %reduce_max3A_118 masked %reduce_max3A_115 : vector<16xi32>, vector<16xi1> -> vector<16xi32>
    %reduce_max3A_120 = arith.xori %reduce_max3A_119, %reduce_max3A_117 : vector<16xi32>
    %reduce_max3A_121 = vector.extract %reduce_max3A_120[15] : i32 from vector<16xi32>
    %broadcast_in_dim3A_122 = arith.constant 16 : i32
    %broadcast_in_dim3A_123 = vector.broadcast %broadcast_in_dim3A_122 : i32 to vector<16xi32>
    %gather3A_124 = tpu.vector_load_idx %arg5[%broadcast_in_dim3A_123] : memref<40xi32, #tpu.memory_space<vmem>>[vector<16xi32>], vector<16xi32>,
    %reduce_max3A_125 = arith.constant true
    %reduce_max3A_126 = vector.broadcast %reduce_max3A_125 : i1 to vector<16xi1>
    %reduce_max3A_127 = arith.constant -2147483648 : i32
    %reduce_max3A_128 = vector.broadcast %reduce_max3A_127 : i32 to vector<16xi32>
    %reduce_max3A_129 = arith.xori %gather3A_124, %reduce_max3A_128 : vector<16xi32>
    %reduce_max3A_130 = tpu.scan <max>, %reduce_max3A_129 masked %reduce_max3A_126 : vector<16xi32>, vector<16xi1> -> vector<16xi32>
    %reduce_max3A_131 = arith.xori %reduce_max3A_130, %reduce_max3A_128 : vector<16xi32>
    %reduce_max3A_132 = vector.extract %reduce_max3A_131[15] : i32 from vector<16xi32>
    %broadcast_in_dim3A_133 = arith.constant 17 : i32
    %broadcast_in_dim3A_134 = vector.broadcast %broadcast_in_dim3A_133 : i32 to vector<16xi32>
    %gather3A_135 = tpu.vector_load_idx %arg5[%broadcast_in_dim3A_134] : memref<40xi32, #tpu.memory_space<vmem>>[vector<16xi32>], vector<16xi32>,
    %reduce_max3A_136 = arith.constant true
    %reduce_max3A_137 = vector.broadcast %reduce_max3A_136 : i1 to vector<16xi1>
    %reduce_max3A_138 = arith.constant -2147483648 : i32
    %reduce_max3A_139 = vector.broadcast %reduce_max3A_138 : i32 to vector<16xi32>
    %reduce_max3A_140 = arith.xori %gather3A_135, %reduce_max3A_139 : vector<16xi32>
    %reduce_max3A_141 = tpu.scan <max>, %reduce_max3A_140 masked %reduce_max3A_137 : vector<16xi32>, vector<16xi1> -> vector<16xi32>
    %reduce_max3A_142 = arith.xori %reduce_max3A_141, %reduce_max3A_139 : vector<16xi32>
    %reduce_max3A_143 = vector.extract %reduce_max3A_142[15] : i32 from vector<16xi32>
    %broadcast_in_dim3A_144 = arith.constant 18 : i32
    %broadcast_in_dim3A_145 = vector.broadcast %broadcast_in_dim3A_144 : i32 to vector<16xi32>
    %gather3A_146 = tpu.vector_load_idx %arg5[%broadcast_in_dim3A_145] : memref<40xi32, #tpu.memory_space<vmem>>[vector<16xi32>], vector<16xi32>,
    %reduce_max3A_147 = arith.constant true
    %reduce_max3A_148 = vector.broadcast %reduce_max3A_147 : i1 to vector<16xi1>
    %reduce_max3A_149 = arith.constant -2147483648 : i32
    %reduce_max3A_150 = vector.broadcast %reduce_max3A_149 : i32 to vector<16xi32>
    %reduce_max3A_151 = arith.xori %gather3A_146, %reduce_max3A_150 : vector<16xi32>
    %reduce_max3A_152 = tpu.scan <max>, %reduce_max3A_151 masked %reduce_max3A_148 : vector<16xi32>, vector<16xi1> -> vector<16xi32>
    %reduce_max3A_153 = arith.xori %reduce_max3A_152, %reduce_max3A_150 : vector<16xi32>
    %reduce_max3A_154 = vector.extract %reduce_max3A_153[15] : i32 from vector<16xi32>
    %broadcast_in_dim3A_155 = arith.constant 19 : i32
    %broadcast_in_dim3A_156 = vector.broadcast %broadcast_in_dim3A_155 : i32 to vector<16xi32>
    %gather3A_157 = tpu.vector_load_idx %arg5[%broadcast_in_dim3A_156] : memref<40xi32, #tpu.memory_space<vmem>>[vector<16xi32>], vector<16xi32>,
    %reduce_max3A_158 = arith.constant true
    %reduce_max3A_159 = vector.broadcast %reduce_max3A_158 : i1 to vector<16xi1>
    %reduce_max3A_160 = arith.constant -2147483648 : i32
    %reduce_max3A_161 = vector.broadcast %reduce_max3A_160 : i32 to vector<16xi32>
    %reduce_max3A_162 = arith.xori %gather3A_157, %reduce_max3A_161 : vector<16xi32>
    %reduce_max3A_163 = tpu.scan <max>, %reduce_max3A_162 masked %reduce_max3A_159 : vector<16xi32>, vector<16xi1> -> vector<16xi32>
    %reduce_max3A_164 = arith.xori %reduce_max3A_163, %reduce_max3A_161 : vector<16xi32>
    %reduce_max3A_165 = vector.extract %reduce_max3A_164[15] : i32 from vector<16xi32>
    %broadcast_in_dim3A_166 = arith.constant 20 : i32
    %broadcast_in_dim3A_167 = vector.broadcast %broadcast_in_dim3A_166 : i32 to vector<16xi32>
    %gather3A_168 = tpu.vector_load_idx %arg5[%broadcast_in_dim3A_167] : memref<40xi32, #tpu.memory_space<vmem>>[vector<16xi32>], vector<16xi32>,
    %reduce_max3A_169 = arith.constant true
    %reduce_max3A_170 = vector.broadcast %reduce_max3A_169 : i1 to vector<16xi1>
    %reduce_max3A_171 = arith.constant -2147483648 : i32
    %reduce_max3A_172 = vector.broadcast %reduce_max3A_171 : i32 to vector<16xi32>
    %reduce_max3A_173 = arith.xori %gather3A_168, %reduce_max3A_172 : vector<16xi32>
    %reduce_max3A_174 = tpu.scan <max>, %reduce_max3A_173 masked %reduce_max3A_170 : vector<16xi32>, vector<16xi1> -> vector<16xi32>
    %reduce_max3A_175 = arith.xori %reduce_max3A_174, %reduce_max3A_172 : vector<16xi32>
    %reduce_max3A_176 = vector.extract %reduce_max3A_175[15] : i32 from vector<16xi32>
    %broadcast_in_dim3A_177 = arith.constant 21 : i32
    %broadcast_in_dim3A_178 = vector.broadcast %broadcast_in_dim3A_177 : i32 to vector<16xi32>
    %gather3A_179 = tpu.vector_load_idx %arg5[%broadcast_in_dim3A_178] : memref<40xi32, #tpu.memory_space<vmem>>[vector<16xi32>], vector<16xi32>,
    %reduce_max3A_180 = arith.constant true
    %reduce_max3A_181 = vector.broadcast %reduce_max3A_180 : i1 to vector<16xi1>
    %reduce_max3A_182 = arith.constant -2147483648 : i32
    %reduce_max3A_183 = vector.broadcast %reduce_max3A_182 : i32 to vector<16xi32>
    %reduce_max3A_184 = arith.xori %gather3A_179, %reduce_max3A_183 : vector<16xi32>
    %reduce_max3A_185 = tpu.scan <max>, %reduce_max3A_184 masked %reduce_max3A_181 : vector<16xi32>, vector<16xi1> -> vector<16xi32>
    %reduce_max3A_186 = arith.xori %reduce_max3A_185, %reduce_max3A_183 : vector<16xi32>
    %reduce_max3A_187 = vector.extract %reduce_max3A_186[15] : i32 from vector<16xi32>
    %broadcast_in_dim3A_188 = arith.constant 22 : i32
    %broadcast_in_dim3A_189 = vector.broadcast %broadcast_in_dim3A_188 : i32 to vector<16xi32>
    %gather3A_190 = tpu.vector_load_idx %arg5[%broadcast_in_dim3A_189] : memref<40xi32, #tpu.memory_space<vmem>>[vector<16xi32>], vector<16xi32>,
    %reduce_max3A_191 = arith.constant true
    %reduce_max3A_192 = vector.broadcast %reduce_max3A_191 : i1 to vector<16xi1>
    %reduce_max3A_193 = arith.constant -2147483648 : i32
    %reduce_max3A_194 = vector.broadcast %reduce_max3A_193 : i32 to vector<16xi32>
    %reduce_max3A_195 = arith.xori %gather3A_190, %reduce_max3A_194 : vector<16xi32>
    %reduce_max3A_196 = tpu.scan <max>, %reduce_max3A_195 masked %reduce_max3A_192 : vector<16xi32>, vector<16xi1> -> vector<16xi32>
    %reduce_max3A_197 = arith.xori %reduce_max3A_196, %reduce_max3A_194 : vector<16xi32>
    %reduce_max3A_198 = vector.extract %reduce_max3A_197[15] : i32 from vector<16xi32>
    %broadcast_in_dim3A_199 = arith.constant 23 : i32
    %broadcast_in_dim3A_200 = vector.broadcast %broadcast_in_dim3A_199 : i32 to vector<16xi32>
    %gather3A_201 = tpu.vector_load_idx %arg5[%broadcast_in_dim3A_200] : memref<40xi32, #tpu.memory_space<vmem>>[vector<16xi32>], vector<16xi32>,
    %reduce_max3A_202 = arith.constant true
    %reduce_max3A_203 = vector.broadcast %reduce_max3A_202 : i1 to vector<16xi1>
    %reduce_max3A_204 = arith.constant -2147483648 : i32
    %reduce_max3A_205 = vector.broadcast %reduce_max3A_204 : i32 to vector<16xi32>
    %reduce_max3A_206 = arith.xori %gather3A_201, %reduce_max3A_205 : vector<16xi32>
    %reduce_max3A_207 = tpu.scan <max>, %reduce_max3A_206 masked %reduce_max3A_203 : vector<16xi32>, vector<16xi1> -> vector<16xi32>
    %reduce_max3A_208 = arith.xori %reduce_max3A_207, %reduce_max3A_205 : vector<16xi32>
    %reduce_max3A_209 = vector.extract %reduce_max3A_208[15] : i32 from vector<16xi32>
    %broadcast_in_dim3A_210 = arith.constant 24 : i32
    %broadcast_in_dim3A_211 = vector.broadcast %broadcast_in_dim3A_210 : i32 to vector<16xi32>
    %gather3A_212 = tpu.vector_load_idx %arg5[%broadcast_in_dim3A_211] : memref<40xi32, #tpu.memory_space<vmem>>[vector<16xi32>], vector<16xi32>,
    %reduce_max3A_213 = arith.constant true
    %reduce_max3A_214 = vector.broadcast %reduce_max3A_213 : i1 to vector<16xi1>
    %reduce_max3A_215 = arith.constant -2147483648 : i32
    %reduce_max3A_216 = vector.broadcast %reduce_max3A_215 : i32 to vector<16xi32>
    %reduce_max3A_217 = arith.xori %gather3A_212, %reduce_max3A_216 : vector<16xi32>
    %reduce_max3A_218 = tpu.scan <max>, %reduce_max3A_217 masked %reduce_max3A_214 : vector<16xi32>, vector<16xi1> -> vector<16xi32>
    %reduce_max3A_219 = arith.xori %reduce_max3A_218, %reduce_max3A_216 : vector<16xi32>
    %reduce_max3A_220 = vector.extract %reduce_max3A_219[15] : i32 from vector<16xi32>
    %broadcast_in_dim3A_221 = arith.constant 25 : i32
    %broadcast_in_dim3A_222 = vector.broadcast %broadcast_in_dim3A_221 : i32 to vector<16xi32>
    %gather3A_223 = tpu.vector_load_idx %arg5[%broadcast_in_dim3A_222] : memref<40xi32, #tpu.memory_space<vmem>>[vector<16xi32>], vector<16xi32>,
    %reduce_max3A_224 = arith.constant true
    %reduce_max3A_225 = vector.broadcast %reduce_max3A_224 : i1 to vector<16xi1>
    %reduce_max3A_226 = arith.constant -2147483648 : i32
    %reduce_max3A_227 = vector.broadcast %reduce_max3A_226 : i32 to vector<16xi32>
    %reduce_max3A_228 = arith.xori %gather3A_223, %reduce_max3A_227 : vector<16xi32>
    %reduce_max3A_229 = tpu.scan <max>, %reduce_max3A_228 masked %reduce_max3A_225 : vector<16xi32>, vector<16xi1> -> vector<16xi32>
    %reduce_max3A_230 = arith.xori %reduce_max3A_229, %reduce_max3A_227 : vector<16xi32>
    %reduce_max3A_231 = vector.extract %reduce_max3A_230[15] : i32 from vector<16xi32>
    %broadcast_in_dim3A_232 = arith.constant 26 : i32
    %broadcast_in_dim3A_233 = vector.broadcast %broadcast_in_dim3A_232 : i32 to vector<16xi32>
    %gather3A_234 = tpu.vector_load_idx %arg5[%broadcast_in_dim3A_233] : memref<40xi32, #tpu.memory_space<vmem>>[vector<16xi32>], vector<16xi32>,
    %reduce_max3A_235 = arith.constant true
    %reduce_max3A_236 = vector.broadcast %reduce_max3A_235 : i1 to vector<16xi1>
    %reduce_max3A_237 = arith.constant -2147483648 : i32
    %reduce_max3A_238 = vector.broadcast %reduce_max3A_237 : i32 to vector<16xi32>
    %reduce_max3A_239 = arith.xori %gather3A_234, %reduce_max3A_238 : vector<16xi32>
    %reduce_max3A_240 = tpu.scan <max>, %reduce_max3A_239 masked %reduce_max3A_236 : vector<16xi32>, vector<16xi1> -> vector<16xi32>
    %reduce_max3A_241 = arith.xori %reduce_max3A_240, %reduce_max3A_238 : vector<16xi32>
    %reduce_max3A_242 = vector.extract %reduce_max3A_241[15] : i32 from vector<16xi32>
    %broadcast_in_dim3A_243 = arith.constant 27 : i32
    %broadcast_in_dim3A_244 = vector.broadcast %broadcast_in_dim3A_243 : i32 to vector<16xi32>
    %gather3A_245 = tpu.vector_load_idx %arg5[%broadcast_in_dim3A_244] : memref<40xi32, #tpu.memory_space<vmem>>[vector<16xi32>], vector<16xi32>,
    %reduce_max3A_246 = arith.constant true
    %reduce_max3A_247 = vector.broadcast %reduce_max3A_246 : i1 to vector<16xi1>
    %reduce_max3A_248 = arith.constant -2147483648 : i32
    %reduce_max3A_249 = vector.broadcast %reduce_max3A_248 : i32 to vector<16xi32>
    %reduce_max3A_250 = arith.xori %gather3A_245, %reduce_max3A_249 : vector<16xi32>
    %reduce_max3A_251 = tpu.scan <max>, %reduce_max3A_250 masked %reduce_max3A_247 : vector<16xi32>, vector<16xi1> -> vector<16xi32>
    %reduce_max3A_252 = arith.xori %reduce_max3A_251, %reduce_max3A_249 : vector<16xi32>
    %reduce_max3A_253 = vector.extract %reduce_max3A_252[15] : i32 from vector<16xi32>
    %broadcast_in_dim3A_254 = arith.constant 28 : i32
    %broadcast_in_dim3A_255 = vector.broadcast %broadcast_in_dim3A_254 : i32 to vector<16xi32>
    %gather3A_256 = tpu.vector_load_idx %arg5[%broadcast_in_dim3A_255] : memref<40xi32, #tpu.memory_space<vmem>>[vector<16xi32>], vector<16xi32>,
    %reduce_max3A_257 = arith.constant true
    %reduce_max3A_258 = vector.broadcast %reduce_max3A_257 : i1 to vector<16xi1>
    %reduce_max3A_259 = arith.constant -2147483648 : i32
    %reduce_max3A_260 = vector.broadcast %reduce_max3A_259 : i32 to vector<16xi32>
    %reduce_max3A_261 = arith.xori %gather3A_256, %reduce_max3A_260 : vector<16xi32>
    %reduce_max3A_262 = tpu.scan <max>, %reduce_max3A_261 masked %reduce_max3A_258 : vector<16xi32>, vector<16xi1> -> vector<16xi32>
    %reduce_max3A_263 = arith.xori %reduce_max3A_262, %reduce_max3A_260 : vector<16xi32>
    %reduce_max3A_264 = vector.extract %reduce_max3A_263[15] : i32 from vector<16xi32>
    %broadcast_in_dim3A_265 = arith.constant 29 : i32
    %broadcast_in_dim3A_266 = vector.broadcast %broadcast_in_dim3A_265 : i32 to vector<16xi32>
    %gather3A_267 = tpu.vector_load_idx %arg5[%broadcast_in_dim3A_266] : memref<40xi32, #tpu.memory_space<vmem>>[vector<16xi32>], vector<16xi32>,
    %reduce_max3A_268 = arith.constant true
    %reduce_max3A_269 = vector.broadcast %reduce_max3A_268 : i1 to vector<16xi1>
    %reduce_max3A_270 = arith.constant -2147483648 : i32
    %reduce_max3A_271 = vector.broadcast %reduce_max3A_270 : i32 to vector<16xi32>
    %reduce_max3A_272 = arith.xori %gather3A_267, %reduce_max3A_271 : vector<16xi32>
    %reduce_max3A_273 = tpu.scan <max>, %reduce_max3A_272 masked %reduce_max3A_269 : vector<16xi32>, vector<16xi1> -> vector<16xi32>
    %reduce_max3A_274 = arith.xori %reduce_max3A_273, %reduce_max3A_271 : vector<16xi32>
    %reduce_max3A_275 = vector.extract %reduce_max3A_274[15] : i32 from vector<16xi32>
    %broadcast_in_dim3A_276 = arith.constant 30 : i32
    %broadcast_in_dim3A_277 = vector.broadcast %broadcast_in_dim3A_276 : i32 to vector<16xi32>
    %gather3A_278 = tpu.vector_load_idx %arg5[%broadcast_in_dim3A_277] : memref<40xi32, #tpu.memory_space<vmem>>[vector<16xi32>], vector<16xi32>,
    %reduce_max3A_279 = arith.constant true
    %reduce_max3A_280 = vector.broadcast %reduce_max3A_279 : i1 to vector<16xi1>
    %reduce_max3A_281 = arith.constant -2147483648 : i32
    %reduce_max3A_282 = vector.broadcast %reduce_max3A_281 : i32 to vector<16xi32>
    %reduce_max3A_283 = arith.xori %gather3A_278, %reduce_max3A_282 : vector<16xi32>
    %reduce_max3A_284 = tpu.scan <max>, %reduce_max3A_283 masked %reduce_max3A_280 : vector<16xi32>, vector<16xi1> -> vector<16xi32>
    %reduce_max3A_285 = arith.xori %reduce_max3A_284, %reduce_max3A_282 : vector<16xi32>
    %reduce_max3A_286 = vector.extract %reduce_max3A_285[15] : i32 from vector<16xi32>
    %broadcast_in_dim3A_287 = arith.constant 31 : i32
    %broadcast_in_dim3A_288 = vector.broadcast %broadcast_in_dim3A_287 : i32 to vector<16xi32>
    %gather3A_289 = tpu.vector_load_idx %arg5[%broadcast_in_dim3A_288] : memref<40xi32, #tpu.memory_space<vmem>>[vector<16xi32>], vector<16xi32>,
    %reduce_max3A_290 = arith.constant true
    %reduce_max3A_291 = vector.broadcast %reduce_max3A_290 : i1 to vector<16xi1>
    %reduce_max3A_292 = arith.constant -2147483648 : i32
    %reduce_max3A_293 = vector.broadcast %reduce_max3A_292 : i32 to vector<16xi32>
    %reduce_max3A_294 = arith.xori %gather3A_289, %reduce_max3A_293 : vector<16xi32>
    %reduce_max3A_295 = tpu.scan <max>, %reduce_max3A_294 masked %reduce_max3A_291 : vector<16xi32>, vector<16xi1> -> vector<16xi32>
    %reduce_max3A_296 = arith.xori %reduce_max3A_295, %reduce_max3A_293 : vector<16xi32>
    %reduce_max3A_297 = vector.extract %reduce_max3A_296[15] : i32 from vector<16xi32>
    %broadcast_in_dim3A_298 = arith.constant 32 : i32
    %broadcast_in_dim3A_299 = vector.broadcast %broadcast_in_dim3A_298 : i32 to vector<16xi32>
    %gather3A_300 = tpu.vector_load_idx %arg5[%broadcast_in_dim3A_299] : memref<40xi32, #tpu.memory_space<vmem>>[vector<16xi32>], vector<16xi32>,
    %reduce_max3A_301 = arith.constant true
    %reduce_max3A_302 = vector.broadcast %reduce_max3A_301 : i1 to vector<16xi1>
    %reduce_max3A_303 = arith.constant -2147483648 : i32
    %reduce_max3A_304 = vector.broadcast %reduce_max3A_303 : i32 to vector<16xi32>
    %reduce_max3A_305 = arith.xori %gather3A_300, %reduce_max3A_304 : vector<16xi32>
    %reduce_max3A_306 = tpu.scan <max>, %reduce_max3A_305 masked %reduce_max3A_302 : vector<16xi32>, vector<16xi1> -> vector<16xi32>
    %reduce_max3A_307 = arith.xori %reduce_max3A_306, %reduce_max3A_304 : vector<16xi32>
    %reduce_max3A_308 = vector.extract %reduce_max3A_307[15] : i32 from vector<16xi32>
    %broadcast_in_dim3A_309 = arith.constant 33 : i32
    %broadcast_in_dim3A_310 = vector.broadcast %broadcast_in_dim3A_309 : i32 to vector<16xi32>
    %gather3A_311 = tpu.vector_load_idx %arg5[%broadcast_in_dim3A_310] : memref<40xi32, #tpu.memory_space<vmem>>[vector<16xi32>], vector<16xi32>,
    %reduce_max3A_312 = arith.constant true
    %reduce_max3A_313 = vector.broadcast %reduce_max3A_312 : i1 to vector<16xi1>
    %reduce_max3A_314 = arith.constant -2147483648 : i32
    %reduce_max3A_315 = vector.broadcast %reduce_max3A_314 : i32 to vector<16xi32>
    %reduce_max3A_316 = arith.xori %gather3A_311, %reduce_max3A_315 : vector<16xi32>
    %reduce_max3A_317 = tpu.scan <max>, %reduce_max3A_316 masked %reduce_max3A_313 : vector<16xi32>, vector<16xi1> -> vector<16xi32>
    %reduce_max3A_318 = arith.xori %reduce_max3A_317, %reduce_max3A_315 : vector<16xi32>
    %reduce_max3A_319 = vector.extract %reduce_max3A_318[15] : i32 from vector<16xi32>
    %broadcast_in_dim3A_320 = arith.constant 34 : i32
    %broadcast_in_dim3A_321 = vector.broadcast %broadcast_in_dim3A_320 : i32 to vector<16xi32>
    %gather3A_322 = tpu.vector_load_idx %arg5[%broadcast_in_dim3A_321] : memref<40xi32, #tpu.memory_space<vmem>>[vector<16xi32>], vector<16xi32>,
    %reduce_max3A_323 = arith.constant true
    %reduce_max3A_324 = vector.broadcast %reduce_max3A_323 : i1 to vector<16xi1>
    %reduce_max3A_325 = arith.constant -2147483648 : i32
    %reduce_max3A_326 = vector.broadcast %reduce_max3A_325 : i32 to vector<16xi32>
    %reduce_max3A_327 = arith.xori %gather3A_322, %reduce_max3A_326 : vector<16xi32>
    %reduce_max3A_328 = tpu.scan <max>, %reduce_max3A_327 masked %reduce_max3A_324 : vector<16xi32>, vector<16xi1> -> vector<16xi32>
    %reduce_max3A_329 = arith.xori %reduce_max3A_328, %reduce_max3A_326 : vector<16xi32>
    %reduce_max3A_330 = vector.extract %reduce_max3A_329[15] : i32 from vector<16xi32>
    %broadcast_in_dim3A_331 = arith.constant 35 : i32
    %broadcast_in_dim3A_332 = vector.broadcast %broadcast_in_dim3A_331 : i32 to vector<16xi32>
    %gather3A_333 = tpu.vector_load_idx %arg5[%broadcast_in_dim3A_332] : memref<40xi32, #tpu.memory_space<vmem>>[vector<16xi32>], vector<16xi32>,
    %reduce_max3A_334 = arith.constant true
    %reduce_max3A_335 = vector.broadcast %reduce_max3A_334 : i1 to vector<16xi1>
    %reduce_max3A_336 = arith.constant -2147483648 : i32
    %reduce_max3A_337 = vector.broadcast %reduce_max3A_336 : i32 to vector<16xi32>
    %reduce_max3A_338 = arith.xori %gather3A_333, %reduce_max3A_337 : vector<16xi32>
    %reduce_max3A_339 = tpu.scan <max>, %reduce_max3A_338 masked %reduce_max3A_335 : vector<16xi32>, vector<16xi1> -> vector<16xi32>
    %reduce_max3A_340 = arith.xori %reduce_max3A_339, %reduce_max3A_337 : vector<16xi32>
    %reduce_max3A_341 = vector.extract %reduce_max3A_340[15] : i32 from vector<16xi32>
    %broadcast_in_dim3A_342 = arith.constant 36 : i32
    %broadcast_in_dim3A_343 = vector.broadcast %broadcast_in_dim3A_342 : i32 to vector<16xi32>
    %gather3A_344 = tpu.vector_load_idx %arg5[%broadcast_in_dim3A_343] : memref<40xi32, #tpu.memory_space<vmem>>[vector<16xi32>], vector<16xi32>,
    %reduce_max3A_345 = arith.constant true
    %reduce_max3A_346 = vector.broadcast %reduce_max3A_345 : i1 to vector<16xi1>
    %reduce_max3A_347 = arith.constant -2147483648 : i32
    %reduce_max3A_348 = vector.broadcast %reduce_max3A_347 : i32 to vector<16xi32>
    %reduce_max3A_349 = arith.xori %gather3A_344, %reduce_max3A_348 : vector<16xi32>
    %reduce_max3A_350 = tpu.scan <max>, %reduce_max3A_349 masked %reduce_max3A_346 : vector<16xi32>, vector<16xi1> -> vector<16xi32>
    %reduce_max3A_351 = arith.xori %reduce_max3A_350, %reduce_max3A_348 : vector<16xi32>
    %reduce_max3A_352 = vector.extract %reduce_max3A_351[15] : i32 from vector<16xi32>
    %broadcast_in_dim3A_353 = arith.constant 37 : i32
    %broadcast_in_dim3A_354 = vector.broadcast %broadcast_in_dim3A_353 : i32 to vector<16xi32>
    %gather3A_355 = tpu.vector_load_idx %arg5[%broadcast_in_dim3A_354] : memref<40xi32, #tpu.memory_space<vmem>>[vector<16xi32>], vector<16xi32>,
    %reduce_max3A_356 = arith.constant true
    %reduce_max3A_357 = vector.broadcast %reduce_max3A_356 : i1 to vector<16xi1>
    %reduce_max3A_358 = arith.constant -2147483648 : i32
    %reduce_max3A_359 = vector.broadcast %reduce_max3A_358 : i32 to vector<16xi32>
    %reduce_max3A_360 = arith.xori %gather3A_355, %reduce_max3A_359 : vector<16xi32>
    %reduce_max3A_361 = tpu.scan <max>, %reduce_max3A_360 masked %reduce_max3A_357 : vector<16xi32>, vector<16xi1> -> vector<16xi32>
    %reduce_max3A_362 = arith.xori %reduce_max3A_361, %reduce_max3A_359 : vector<16xi32>
    %reduce_max3A_363 = vector.extract %reduce_max3A_362[15] : i32 from vector<16xi32>
    %broadcast_in_dim3A_364 = arith.constant 38 : i32
    %broadcast_in_dim3A_365 = vector.broadcast %broadcast_in_dim3A_364 : i32 to vector<16xi32>
    %gather3A_366 = tpu.vector_load_idx %arg5[%broadcast_in_dim3A_365] : memref<40xi32, #tpu.memory_space<vmem>>[vector<16xi32>], vector<16xi32>,
    %reduce_max3A_367 = arith.constant true
    %reduce_max3A_368 = vector.broadcast %reduce_max3A_367 : i1 to vector<16xi1>
    %reduce_max3A_369 = arith.constant -2147483648 : i32
    %reduce_max3A_370 = vector.broadcast %reduce_max3A_369 : i32 to vector<16xi32>
    %reduce_max3A_371 = arith.xori %gather3A_366, %reduce_max3A_370 : vector<16xi32>
    %reduce_max3A_372 = tpu.scan <max>, %reduce_max3A_371 masked %reduce_max3A_368 : vector<16xi32>, vector<16xi1> -> vector<16xi32>
    %reduce_max3A_373 = arith.xori %reduce_max3A_372, %reduce_max3A_370 : vector<16xi32>
    %reduce_max3A_374 = vector.extract %reduce_max3A_373[15] : i32 from vector<16xi32>
    %broadcast_in_dim3A_375 = arith.constant 39 : i32
    %broadcast_in_dim3A_376 = vector.broadcast %broadcast_in_dim3A_375 : i32 to vector<16xi32>
    %gather3A_377 = tpu.vector_load_idx %arg5[%broadcast_in_dim3A_376] : memref<40xi32, #tpu.memory_space<vmem>>[vector<16xi32>], vector<16xi32>,
    %reduce_max3A_378 = arith.constant true
    %reduce_max3A_379 = vector.broadcast %reduce_max3A_378 : i1 to vector<16xi1>
    %reduce_max3A_380 = arith.constant -2147483648 : i32
    %reduce_max3A_381 = vector.broadcast %reduce_max3A_380 : i32 to vector<16xi32>
    %reduce_max3A_382 = arith.xori %gather3A_377, %reduce_max3A_381 : vector<16xi32>
    %reduce_max3A_383 = tpu.scan <max>, %reduce_max3A_382 masked %reduce_max3A_379 : vector<16xi32>, vector<16xi1> -> vector<16xi32>
    %reduce_max3A_384 = arith.xori %reduce_max3A_383, %reduce_max3A_381 : vector<16xi32>
    %reduce_max3A_385 = vector.extract %reduce_max3A_384[15] : i32 from vector<16xi32>
    %dma_wait3A = arith.constant 0 : i32
    %dma_wait3A_386 = arith.constant 0 : i32
    %dma_wait3A_387 = arith.constant 0 : i32
    %dma_wait3A_388 = tpu.memref_slice %arg7[%dma_wait3A, %dma_wait3A_386, %dma_wait3A_387] : memref<3x8x4096xf32, #tpu.memory_space<vmem>> -> memref<1x8x4096xf32, #tpu.memory_space<vmem>>
    %dma_wait3A_389 = tpu.memref_squeeze %dma_wait3A_388 : memref<1x8x4096xf32, #tpu.memory_space<vmem>> -> memref<8x4096xf32, #tpu.memory_space<vmem>>
    %dma_wait3A_390 = arith.constant 0 : i32
    %dma_wait3A_391 = tpu.memref_slice %arg6[%dma_wait3A_390] : memref<32xi32, #tpu.memory_space<vmem>> -> memref<8xi32, #tpu.memory_space<vmem>>
    %dma_wait3A_392 = arith.constant 0 : i32
    %dma_wait3A_393 = arith.constant 0 : i32
    %dma_wait3A_394 = tpu.memref_slice %arg2[%dma_wait3A_392, %dma_wait3A_393] : memref<1000x4096xf32, #tpu.memory_space<hbm>> -> memref<1000x4096xf32, #tpu.memory_space<hbm>>
    tpu.wait_indirect_dma semaphore(%arg8 : memref<!tpu.dma_semaphore, #tpu.memory_space<semaphore_mem>>) src(%dma_wait3A_394 : memref<1000x4096xf32, #tpu.memory_space<hbm>>) dst(%dma_wait3A_389 : memref<8x4096xf32, #tpu.memory_space<vmem>>)
    %ge3A = arith.constant 1000 : i32
    %ge3A_395 = arith.cmpi sge, %reduce_max3A_44, %ge3A : i32
    %convert_element_type3A = arith.extui %ge3A_395 : i1 to i32
    %cond3A = arith.constant 0 : i32
    %cond3A_396 = arith.cmpi ne, %convert_element_type3A, %cond3A : i32
    scf.if %cond3A_396 {
      %scan3A = arith.constant 0 : i32
      %scan3A_714 = arith.constant 0 : i32
      %scan3A_715 = arith.constant 256 : i32
      %scan3A_716 = arith.addi %scan3A_714, %scan3A_715 : i32
      %scan3A_717 = arith.constant 1 : i32
      %scan3A_718 = scf.for %scan3A_720 = %scan3A_714 to %scan3A_716 step %scan3A_717 iter_args(%scan3A_721 = %scan3A) -> (i32)  : i32 {
        %mul3A_722 = arith.constant 16 : i32
        %mul3A_723 = arith.muli %scan3A_720, %mul3A_722 : i32
        %swap3A_724 = arith.constant 0 : i32
        %swap3A_725 = arith.constant 0 : i32
        %swap3A_726 = arith.index_cast %swap3A_724 : i32 to index
        %swap3A_727 = arith.index_cast %swap3A_725 : i32 to index
        %swap3A_728 = arith.index_cast %mul3A_723 : i32 to index
        %swap3A_729 = tpu.vector_load %arg7[%swap3A_726, %swap3A_727, %swap3A_728] {strides = array<i32>} : memref<3x8x4096xf32, #tpu.memory_space<vmem>>, vector<16xf32>,
        tpu.vector_store %arg7[%swap3A_726, %swap3A_727, %swap3A_728], %broadcast_in_dim3A_16 {strides = array<i32>} : memref<3x8x4096xf32, #tpu.memory_space<vmem>>, vector<16xf32>,
        %scan3A_730 = arith.constant 0 : i32
        scf.yield %scan3A_730 : i32
      }
      %scan3A_719 = arith.constant 256 : i32
    } else {
    }
    %ge3A_397 = arith.constant 1000 : i32
    %ge3A_398 = arith.cmpi sge, %reduce_max3A_55, %ge3A_397 : i32
    %convert_element_type3A_399 = arith.extui %ge3A_398 : i1 to i32
    %cond3A_400 = arith.constant 0 : i32
    %cond3A_401 = arith.cmpi ne, %convert_element_type3A_399, %cond3A_400 : i32
    scf.if %cond3A_401 {
      %scan3A = arith.constant 0 : i32
      %scan3A_714 = arith.constant 0 : i32
      %scan3A_715 = arith.constant 256 : i32
      %scan3A_716 = arith.addi %scan3A_714, %scan3A_715 : i32
      %scan3A_717 = arith.constant 1 : i32
      %scan3A_718 = scf.for %scan3A_720 = %scan3A_714 to %scan3A_716 step %scan3A_717 iter_args(%scan3A_721 = %scan3A) -> (i32)  : i32 {
        %mul3A_722 = arith.constant 16 : i32
        %mul3A_723 = arith.muli %scan3A_720, %mul3A_722 : i32
        %swap3A_724 = arith.constant 0 : i32
        %swap3A_725 = arith.constant 1 : i32
        %swap3A_726 = arith.index_cast %swap3A_724 : i32 to index
        %swap3A_727 = arith.index_cast %swap3A_725 : i32 to index
        %swap3A_728 = arith.index_cast %mul3A_723 : i32 to index
        %swap3A_729 = tpu.vector_load %arg7[%swap3A_726, %swap3A_727, %swap3A_728] {strides = array<i32>} : memref<3x8x4096xf32, #tpu.memory_space<vmem>>, vector<16xf32>,
        tpu.vector_store %arg7[%swap3A_726, %swap3A_727, %swap3A_728], %broadcast_in_dim3A_16 {strides = array<i32>} : memref<3x8x4096xf32, #tpu.memory_space<vmem>>, vector<16xf32>,
        %scan3A_730 = arith.constant 0 : i32
        scf.yield %scan3A_730 : i32
      }
      %scan3A_719 = arith.constant 256 : i32
    } else {
    }
    %ge3A_402 = arith.constant 1000 : i32
    %ge3A_403 = arith.cmpi sge, %reduce_max3A_66, %ge3A_402 : i32
    %convert_element_type3A_404 = arith.extui %ge3A_403 : i1 to i32
    %cond3A_405 = arith.constant 0 : i32
    %cond3A_406 = arith.cmpi ne, %convert_element_type3A_404, %cond3A_405 : i32
    scf.if %cond3A_406 {
      %scan3A = arith.constant 0 : i32
      %scan3A_714 = arith.constant 0 : i32
      %scan3A_715 = arith.constant 256 : i32
      %scan3A_716 = arith.addi %scan3A_714, %scan3A_715 : i32
      %scan3A_717 = arith.constant 1 : i32
      %scan3A_718 = scf.for %scan3A_720 = %scan3A_714 to %scan3A_716 step %scan3A_717 iter_args(%scan3A_721 = %scan3A) -> (i32)  : i32 {
        %mul3A_722 = arith.constant 16 : i32
        %mul3A_723 = arith.muli %scan3A_720, %mul3A_722 : i32
        %swap3A_724 = arith.constant 0 : i32
        %swap3A_725 = arith.constant 2 : i32
        %swap3A_726 = arith.index_cast %swap3A_724 : i32 to index
        %swap3A_727 = arith.index_cast %swap3A_725 : i32 to index
        %swap3A_728 = arith.index_cast %mul3A_723 : i32 to index
        %swap3A_729 = tpu.vector_load %arg7[%swap3A_726, %swap3A_727, %swap3A_728] {strides = array<i32>} : memref<3x8x4096xf32, #tpu.memory_space<vmem>>, vector<16xf32>,
        tpu.vector_store %arg7[%swap3A_726, %swap3A_727, %swap3A_728], %broadcast_in_dim3A_16 {strides = array<i32>} : memref<3x8x4096xf32, #tpu.memory_space<vmem>>, vector<16xf32>,
        %scan3A_730 = arith.constant 0 : i32
        scf.yield %scan3A_730 : i32
      }
      %scan3A_719 = arith.constant 256 : i32
    } else {
    }
    %ge3A_407 = arith.constant 1000 : i32
    %ge3A_408 = arith.cmpi sge, %reduce_max3A_77, %ge3A_407 : i32
    %convert_element_type3A_409 = arith.extui %ge3A_408 : i1 to i32
    %cond3A_410 = arith.constant 0 : i32
    %cond3A_411 = arith.cmpi ne, %convert_element_type3A_409, %cond3A_410 : i32
    scf.if %cond3A_411 {
      %scan3A = arith.constant 0 : i32
      %scan3A_714 = arith.constant 0 : i32
      %scan3A_715 = arith.constant 256 : i32
      %scan3A_716 = arith.addi %scan3A_714, %scan3A_715 : i32
      %scan3A_717 = arith.constant 1 : i32
      %scan3A_718 = scf.for %scan3A_720 = %scan3A_714 to %scan3A_716 step %scan3A_717 iter_args(%scan3A_721 = %scan3A) -> (i32)  : i32 {
        %mul3A_722 = arith.constant 16 : i32
        %mul3A_723 = arith.muli %scan3A_720, %mul3A_722 : i32
        %swap3A_724 = arith.constant 0 : i32
        %swap3A_725 = arith.constant 3 : i32
        %swap3A_726 = arith.index_cast %swap3A_724 : i32 to index
        %swap3A_727 = arith.index_cast %swap3A_725 : i32 to index
        %swap3A_728 = arith.index_cast %mul3A_723 : i32 to index
        %swap3A_729 = tpu.vector_load %arg7[%swap3A_726, %swap3A_727, %swap3A_728] {strides = array<i32>} : memref<3x8x4096xf32, #tpu.memory_space<vmem>>, vector<16xf32>,
        tpu.vector_store %arg7[%swap3A_726, %swap3A_727, %swap3A_728], %broadcast_in_dim3A_16 {strides = array<i32>} : memref<3x8x4096xf32, #tpu.memory_space<vmem>>, vector<16xf32>,
        %scan3A_730 = arith.constant 0 : i32
        scf.yield %scan3A_730 : i32
      }
      %scan3A_719 = arith.constant 256 : i32
    } else {
    }
    %ge3A_412 = arith.constant 1000 : i32
    %ge3A_413 = arith.cmpi sge, %reduce_max3A_88, %ge3A_412 : i32
    %convert_element_type3A_414 = arith.extui %ge3A_413 : i1 to i32
    %cond3A_415 = arith.constant 0 : i32
    %cond3A_416 = arith.cmpi ne, %convert_element_type3A_414, %cond3A_415 : i32
    scf.if %cond3A_416 {
      %scan3A = arith.constant 0 : i32
      %scan3A_714 = arith.constant 0 : i32
      %scan3A_715 = arith.constant 256 : i32
      %scan3A_716 = arith.addi %scan3A_714, %scan3A_715 : i32
      %scan3A_717 = arith.constant 1 : i32
      %scan3A_718 = scf.for %scan3A_720 = %scan3A_714 to %scan3A_716 step %scan3A_717 iter_args(%scan3A_721 = %scan3A) -> (i32)  : i32 {
        %mul3A_722 = arith.constant 16 : i32
        %mul3A_723 = arith.muli %scan3A_720, %mul3A_722 : i32
        %swap3A_724 = arith.constant 0 : i32
        %swap3A_725 = arith.constant 4 : i32
        %swap3A_726 = arith.index_cast %swap3A_724 : i32 to index
        %swap3A_727 = arith.index_cast %swap3A_725 : i32 to index
        %swap3A_728 = arith.index_cast %mul3A_723 : i32 to index
        %swap3A_729 = tpu.vector_load %arg7[%swap3A_726, %swap3A_727, %swap3A_728] {strides = array<i32>} : memref<3x8x4096xf32, #tpu.memory_space<vmem>>, vector<16xf32>,
        tpu.vector_store %arg7[%swap3A_726, %swap3A_727, %swap3A_728], %broadcast_in_dim3A_16 {strides = array<i32>} : memref<3x8x4096xf32, #tpu.memory_space<vmem>>, vector<16xf32>,
        %scan3A_730 = arith.constant 0 : i32
        scf.yield %scan3A_730 : i32
      }
      %scan3A_719 = arith.constant 256 : i32
    } else {
    }
    %ge3A_417 = arith.constant 1000 : i32
    %ge3A_418 = arith.cmpi sge, %reduce_max3A_99, %ge3A_417 : i32
    %convert_element_type3A_419 = arith.extui %ge3A_418 : i1 to i32
    %cond3A_420 = arith.constant 0 : i32
    %cond3A_421 = arith.cmpi ne, %convert_element_type3A_419, %cond3A_420 : i32
    scf.if %cond3A_421 {
      %scan3A = arith.constant 0 : i32
      %scan3A_714 = arith.constant 0 : i32
      %scan3A_715 = arith.constant 256 : i32
      %scan3A_716 = arith.addi %scan3A_714, %scan3A_715 : i32
      %scan3A_717 = arith.constant 1 : i32
      %scan3A_718 = scf.for %scan3A_720 = %scan3A_714 to %scan3A_716 step %scan3A_717 iter_args(%scan3A_721 = %scan3A) -> (i32)  : i32 {
        %mul3A_722 = arith.constant 16 : i32
        %mul3A_723 = arith.muli %scan3A_720, %mul3A_722 : i32
        %swap3A_724 = arith.constant 0 : i32
        %swap3A_725 = arith.constant 5 : i32
        %swap3A_726 = arith.index_cast %swap3A_724 : i32 to index
        %swap3A_727 = arith.index_cast %swap3A_725 : i32 to index
        %swap3A_728 = arith.index_cast %mul3A_723 : i32 to index
        %swap3A_729 = tpu.vector_load %arg7[%swap3A_726, %swap3A_727, %swap3A_728] {strides = array<i32>} : memref<3x8x4096xf32, #tpu.memory_space<vmem>>, vector<16xf32>,
        tpu.vector_store %arg7[%swap3A_726, %swap3A_727, %swap3A_728], %broadcast_in_dim3A_16 {strides = array<i32>} : memref<3x8x4096xf32, #tpu.memory_space<vmem>>, vector<16xf32>,
        %scan3A_730 = arith.constant 0 : i32
        scf.yield %scan3A_730 : i32
      }
      %scan3A_719 = arith.constant 256 : i32
    } else {
    }
    %ge3A_422 = arith.constant 1000 : i32
    %ge3A_423 = arith.cmpi sge, %reduce_max3A_110, %ge3A_422 : i32
    %convert_element_type3A_424 = arith.extui %ge3A_423 : i1 to i32
    %cond3A_425 = arith.constant 0 : i32
    %cond3A_426 = arith.cmpi ne, %convert_element_type3A_424, %cond3A_425 : i32
    scf.if %cond3A_426 {
      %scan3A = arith.constant 0 : i32
      %scan3A_714 = arith.constant 0 : i32
      %scan3A_715 = arith.constant 256 : i32
      %scan3A_716 = arith.addi %scan3A_714, %scan3A_715 : i32
      %scan3A_717 = arith.constant 1 : i32
      %scan3A_718 = scf.for %scan3A_720 = %scan3A_714 to %scan3A_716 step %scan3A_717 iter_args(%scan3A_721 = %scan3A) -> (i32)  : i32 {
        %mul3A_722 = arith.constant 16 : i32
        %mul3A_723 = arith.muli %scan3A_720, %mul3A_722 : i32
        %swap3A_724 = arith.constant 0 : i32
        %swap3A_725 = arith.constant 6 : i32
        %swap3A_726 = arith.index_cast %swap3A_724 : i32 to index
        %swap3A_727 = arith.index_cast %swap3A_725 : i32 to index
        %swap3A_728 = arith.index_cast %mul3A_723 : i32 to index
        %swap3A_729 = tpu.vector_load %arg7[%swap3A_726, %swap3A_727, %swap3A_728] {strides = array<i32>} : memref<3x8x4096xf32, #tpu.memory_space<vmem>>, vector<16xf32>,
        tpu.vector_store %arg7[%swap3A_726, %swap3A_727, %swap3A_728], %broadcast_in_dim3A_16 {strides = array<i32>} : memref<3x8x4096xf32, #tpu.memory_space<vmem>>, vector<16xf32>,
        %scan3A_730 = arith.constant 0 : i32
        scf.yield %scan3A_730 : i32
      }
      %scan3A_719 = arith.constant 256 : i32
    } else {
    }
    %ge3A_427 = arith.constant 1000 : i32
    %ge3A_428 = arith.cmpi sge, %reduce_max3A_121, %ge3A_427 : i32
    %convert_element_type3A_429 = arith.extui %ge3A_428 : i1 to i32
    %cond3A_430 = arith.constant 0 : i32
    %cond3A_431 = arith.cmpi ne, %convert_element_type3A_429, %cond3A_430 : i32
    scf.if %cond3A_431 {
      %scan3A = arith.constant 0 : i32
      %scan3A_714 = arith.constant 0 : i32
      %scan3A_715 = arith.constant 256 : i32
      %scan3A_716 = arith.addi %scan3A_714, %scan3A_715 : i32
      %scan3A_717 = arith.constant 1 : i32
      %scan3A_718 = scf.for %scan3A_720 = %scan3A_714 to %scan3A_716 step %scan3A_717 iter_args(%scan3A_721 = %scan3A) -> (i32)  : i32 {
        %mul3A_722 = arith.constant 16 : i32
        %mul3A_723 = arith.muli %scan3A_720, %mul3A_722 : i32
        %swap3A_724 = arith.constant 0 : i32
        %swap3A_725 = arith.constant 7 : i32
        %swap3A_726 = arith.index_cast %swap3A_724 : i32 to index
        %swap3A_727 = arith.index_cast %swap3A_725 : i32 to index
        %swap3A_728 = arith.index_cast %mul3A_723 : i32 to index
        %swap3A_729 = tpu.vector_load %arg7[%swap3A_726, %swap3A_727, %swap3A_728] {strides = array<i32>} : memref<3x8x4096xf32, #tpu.memory_space<vmem>>, vector<16xf32>,
        tpu.vector_store %arg7[%swap3A_726, %swap3A_727, %swap3A_728], %broadcast_in_dim3A_16 {strides = array<i32>} : memref<3x8x4096xf32, #tpu.memory_space<vmem>>, vector<16xf32>,
        %scan3A_730 = arith.constant 0 : i32
        scf.yield %scan3A_730 : i32
      }
      %scan3A_719 = arith.constant 256 : i32
    } else {
    }
    %add3A_432 = arith.constant 0 : i32
    %add3A_433 = arith.addi %min3A_3, %add3A_432 : i32
    %dma_start3A_434 = arith.constant 0 : i32
    %dma_start3A_435 = arith.constant 0 : i32
    %dma_start3A_436 = arith.constant 0 : i32
    %dma_start3A_437 = tpu.memref_slice %arg7[%dma_start3A_434, %dma_start3A_435, %dma_start3A_436] : memref<3x8x4096xf32, #tpu.memory_space<vmem>> -> memref<1x8x4096xf32, #tpu.memory_space<vmem>>
    %dma_start3A_438 = tpu.memref_squeeze %dma_start3A_437 : memref<1x8x4096xf32, #tpu.memory_space<vmem>> -> memref<8x4096xf32, #tpu.memory_space<vmem>>
    %dma_start3A_439 = arith.constant 0 : i32
    %dma_start3A_440 = tpu.memref_slice %arg4[%add3A_433, %dma_start3A_439] : memref<1000x4096xf32, #tpu.memory_space<hbm>> -> memref<8x4096xf32, #tpu.memory_space<hbm>>
    %dma_start3A_441 = arith.constant 0 : i32
    %dma_start3A_442 = tpu.memref_slice %arg4[%add3A_433, %dma_start3A_441] : memref<1000x4096xf32, #tpu.memory_space<hbm>> -> memref<8x4096xf32, #tpu.memory_space<hbm>>
    %dma_start3A_443 = arith.constant 0 : i32
    %dma_start3A_444 = arith.constant 0 : i32
    %dma_start3A_445 = tpu.memref_slice %arg7[%dma_start3A_434, %dma_start3A_443, %dma_start3A_444] : memref<3x8x4096xf32, #tpu.memory_space<vmem>> -> memref<1x8x4096xf32, #tpu.memory_space<vmem>>
    %dma_start3A_446 = tpu.memref_squeeze %dma_start3A_445 : memref<1x8x4096xf32, #tpu.memory_space<vmem>> -> memref<8x4096xf32, #tpu.memory_space<vmem>>
    tpu.enqueue_dma source(%dma_start3A_446 : memref<8x4096xf32, #tpu.memory_space<vmem>>) target(%dma_start3A_442 : memref<8x4096xf32, #tpu.memory_space<hbm>>) target_semaphore(%arg10 : memref<!tpu.dma_semaphore, #tpu.memory_space<semaphore_mem>>)
    %dma_start3A_447 = arith.constant 2 : i32
    %dma_start3A_448 = arith.constant 0 : i32
    %dma_start3A_449 = arith.constant 0 : i32
    %dma_start3A_450 = tpu.memref_slice %arg7[%dma_start3A_447, %dma_start3A_448, %dma_start3A_449] : memref<3x8x4096xf32, #tpu.memory_space<vmem>> -> memref<1x8x4096xf32, #tpu.memory_space<vmem>>
    %dma_start3A_451 = tpu.memref_squeeze %dma_start3A_450 : memref<1x8x4096xf32, #tpu.memory_space<vmem>> -> memref<8x4096xf32, #tpu.memory_space<vmem>>
    %dma_start3A_452 = arith.constant 16 : i32
    %dma_start3A_453 = tpu.memref_slice %arg6[%dma_start3A_452] : memref<32xi32, #tpu.memory_space<vmem>> -> memref<8xi32, #tpu.memory_space<vmem>>
    %dma_start3A_454 = arith.constant 0 : i32
    %dma_start3A_455 = arith.constant 0 : i32
    %dma_start3A_456 = tpu.memref_slice %arg2[%dma_start3A_454, %dma_start3A_455] : memref<1000x4096xf32, #tpu.memory_space<hbm>> -> memref<1000x4096xf32, #tpu.memory_space<hbm>>
    tpu.enqueue_indirect_dma source(%dma_start3A_456 : memref<1000x4096xf32, #tpu.memory_space<hbm>>) target(%dma_start3A_451 : memref<8x4096xf32, #tpu.memory_space<vmem>>) offsets(%dma_start3A_453 : memref<8xi32, #tpu.memory_space<vmem>>) semaphore(%arg8 : memref<!tpu.dma_semaphore, #tpu.memory_space<semaphore_mem>>)
    %dma_wait3A_457 = arith.constant 1 : i32
    %dma_wait3A_458 = arith.constant 0 : i32
    %dma_wait3A_459 = arith.constant 0 : i32
    %dma_wait3A_460 = tpu.memref_slice %arg7[%dma_wait3A_457, %dma_wait3A_458, %dma_wait3A_459] : memref<3x8x4096xf32, #tpu.memory_space<vmem>> -> memref<1x8x4096xf32, #tpu.memory_space<vmem>>
    %dma_wait3A_461 = tpu.memref_squeeze %dma_wait3A_460 : memref<1x8x4096xf32, #tpu.memory_space<vmem>> -> memref<8x4096xf32, #tpu.memory_space<vmem>>
    %dma_wait3A_462 = arith.constant 8 : i32
    %dma_wait3A_463 = tpu.memref_slice %arg6[%dma_wait3A_462] : memref<32xi32, #tpu.memory_space<vmem>> -> memref<8xi32, #tpu.memory_space<vmem>>
    %dma_wait3A_464 = arith.constant 0 : i32
    %dma_wait3A_465 = arith.constant 0 : i32
    %dma_wait3A_466 = tpu.memref_slice %arg2[%dma_wait3A_464, %dma_wait3A_465] : memref<1000x4096xf32, #tpu.memory_space<hbm>> -> memref<1000x4096xf32, #tpu.memory_space<hbm>>
    tpu.wait_indirect_dma semaphore(%arg9 : memref<!tpu.dma_semaphore, #tpu.memory_space<semaphore_mem>>) src(%dma_wait3A_466 : memref<1000x4096xf32, #tpu.memory_space<hbm>>) dst(%dma_wait3A_461 : memref<8x4096xf32, #tpu.memory_space<vmem>>)
    %ge3A_467 = arith.constant 1000 : i32
    %ge3A_468 = arith.cmpi sge, %reduce_max3A_132, %ge3A_467 : i32
    %convert_element_type3A_469 = arith.extui %ge3A_468 : i1 to i32
    %cond3A_470 = arith.constant 0 : i32
    %cond3A_471 = arith.cmpi ne, %convert_element_type3A_469, %cond3A_470 : i32
    scf.if %cond3A_471 {
      %scan3A = arith.constant 0 : i32
      %scan3A_714 = arith.constant 0 : i32
      %scan3A_715 = arith.constant 256 : i32
      %scan3A_716 = arith.addi %scan3A_714, %scan3A_715 : i32
      %scan3A_717 = arith.constant 1 : i32
      %scan3A_718 = scf.for %scan3A_720 = %scan3A_714 to %scan3A_716 step %scan3A_717 iter_args(%scan3A_721 = %scan3A) -> (i32)  : i32 {
        %mul3A_722 = arith.constant 16 : i32
        %mul3A_723 = arith.muli %scan3A_720, %mul3A_722 : i32
        %swap3A_724 = arith.constant 1 : i32
        %swap3A_725 = arith.constant 0 : i32
        %swap3A_726 = arith.index_cast %swap3A_724 : i32 to index
        %swap3A_727 = arith.index_cast %swap3A_725 : i32 to index
        %swap3A_728 = arith.index_cast %mul3A_723 : i32 to index
        %swap3A_729 = tpu.vector_load %arg7[%swap3A_726, %swap3A_727, %swap3A_728] {strides = array<i32>} : memref<3x8x4096xf32, #tpu.memory_space<vmem>>, vector<16xf32>,
        tpu.vector_store %arg7[%swap3A_726, %swap3A_727, %swap3A_728], %broadcast_in_dim3A_16 {strides = array<i32>} : memref<3x8x4096xf32, #tpu.memory_space<vmem>>, vector<16xf32>,
        %scan3A_730 = arith.constant 0 : i32
        scf.yield %scan3A_730 : i32
      }
      %scan3A_719 = arith.constant 256 : i32
    } else {
    }
    %ge3A_472 = arith.constant 1000 : i32
    %ge3A_473 = arith.cmpi sge, %reduce_max3A_143, %ge3A_472 : i32
    %convert_element_type3A_474 = arith.extui %ge3A_473 : i1 to i32
    %cond3A_475 = arith.constant 0 : i32
    %cond3A_476 = arith.cmpi ne, %convert_element_type3A_474, %cond3A_475 : i32
    scf.if %cond3A_476 {
      %scan3A = arith.constant 0 : i32
      %scan3A_714 = arith.constant 0 : i32
      %scan3A_715 = arith.constant 256 : i32
      %scan3A_716 = arith.addi %scan3A_714, %scan3A_715 : i32
      %scan3A_717 = arith.constant 1 : i32
      %scan3A_718 = scf.for %scan3A_720 = %scan3A_714 to %scan3A_716 step %scan3A_717 iter_args(%scan3A_721 = %scan3A) -> (i32)  : i32 {
        %mul3A_722 = arith.constant 16 : i32
        %mul3A_723 = arith.muli %scan3A_720, %mul3A_722 : i32
        %swap3A_724 = arith.constant 1 : i32
        %swap3A_725 = arith.constant 1 : i32
        %swap3A_726 = arith.index_cast %swap3A_724 : i32 to index
        %swap3A_727 = arith.index_cast %swap3A_725 : i32 to index
        %swap3A_728 = arith.index_cast %mul3A_723 : i32 to index
        %swap3A_729 = tpu.vector_load %arg7[%swap3A_726, %swap3A_727, %swap3A_728] {strides = array<i32>} : memref<3x8x4096xf32, #tpu.memory_space<vmem>>, vector<16xf32>,
        tpu.vector_store %arg7[%swap3A_726, %swap3A_727, %swap3A_728], %broadcast_in_dim3A_16 {strides = array<i32>} : memref<3x8x4096xf32, #tpu.memory_space<vmem>>, vector<16xf32>,
        %scan3A_730 = arith.constant 0 : i32
        scf.yield %scan3A_730 : i32
      }
      %scan3A_719 = arith.constant 256 : i32
    } else {
    }
    %ge3A_477 = arith.constant 1000 : i32
    %ge3A_478 = arith.cmpi sge, %reduce_max3A_154, %ge3A_477 : i32
    %convert_element_type3A_479 = arith.extui %ge3A_478 : i1 to i32
    %cond3A_480 = arith.constant 0 : i32
    %cond3A_481 = arith.cmpi ne, %convert_element_type3A_479, %cond3A_480 : i32
    scf.if %cond3A_481 {
      %scan3A = arith.constant 0 : i32
      %scan3A_714 = arith.constant 0 : i32
      %scan3A_715 = arith.constant 256 : i32
      %scan3A_716 = arith.addi %scan3A_714, %scan3A_715 : i32
      %scan3A_717 = arith.constant 1 : i32
      %scan3A_718 = scf.for %scan3A_720 = %scan3A_714 to %scan3A_716 step %scan3A_717 iter_args(%scan3A_721 = %scan3A) -> (i32)  : i32 {
        %mul3A_722 = arith.constant 16 : i32
        %mul3A_723 = arith.muli %scan3A_720, %mul3A_722 : i32
        %swap3A_724 = arith.constant 1 : i32
        %swap3A_725 = arith.constant 2 : i32
        %swap3A_726 = arith.index_cast %swap3A_724 : i32 to index
        %swap3A_727 = arith.index_cast %swap3A_725 : i32 to index
        %swap3A_728 = arith.index_cast %mul3A_723 : i32 to index
        %swap3A_729 = tpu.vector_load %arg7[%swap3A_726, %swap3A_727, %swap3A_728] {strides = array<i32>} : memref<3x8x4096xf32, #tpu.memory_space<vmem>>, vector<16xf32>,
        tpu.vector_store %arg7[%swap3A_726, %swap3A_727, %swap3A_728], %broadcast_in_dim3A_16 {strides = array<i32>} : memref<3x8x4096xf32, #tpu.memory_space<vmem>>, vector<16xf32>,
        %scan3A_730 = arith.constant 0 : i32
        scf.yield %scan3A_730 : i32
      }
      %scan3A_719 = arith.constant 256 : i32
    } else {
    }
    %ge3A_482 = arith.constant 1000 : i32
    %ge3A_483 = arith.cmpi sge, %reduce_max3A_165, %ge3A_482 : i32
    %convert_element_type3A_484 = arith.extui %ge3A_483 : i1 to i32
    %cond3A_485 = arith.constant 0 : i32
    %cond3A_486 = arith.cmpi ne, %convert_element_type3A_484, %cond3A_485 : i32
    scf.if %cond3A_486 {
      %scan3A = arith.constant 0 : i32
      %scan3A_714 = arith.constant 0 : i32
      %scan3A_715 = arith.constant 256 : i32
      %scan3A_716 = arith.addi %scan3A_714, %scan3A_715 : i32
      %scan3A_717 = arith.constant 1 : i32
      %scan3A_718 = scf.for %scan3A_720 = %scan3A_714 to %scan3A_716 step %scan3A_717 iter_args(%scan3A_721 = %scan3A) -> (i32)  : i32 {
        %mul3A_722 = arith.constant 16 : i32
        %mul3A_723 = arith.muli %scan3A_720, %mul3A_722 : i32
        %swap3A_724 = arith.constant 1 : i32
        %swap3A_725 = arith.constant 3 : i32
        %swap3A_726 = arith.index_cast %swap3A_724 : i32 to index
        %swap3A_727 = arith.index_cast %swap3A_725 : i32 to index
        %swap3A_728 = arith.index_cast %mul3A_723 : i32 to index
        %swap3A_729 = tpu.vector_load %arg7[%swap3A_726, %swap3A_727, %swap3A_728] {strides = array<i32>} : memref<3x8x4096xf32, #tpu.memory_space<vmem>>, vector<16xf32>,
        tpu.vector_store %arg7[%swap3A_726, %swap3A_727, %swap3A_728], %broadcast_in_dim3A_16 {strides = array<i32>} : memref<3x8x4096xf32, #tpu.memory_space<vmem>>, vector<16xf32>,
        %scan3A_730 = arith.constant 0 : i32
        scf.yield %scan3A_730 : i32
      }
      %scan3A_719 = arith.constant 256 : i32
    } else {
    }
    %ge3A_487 = arith.constant 1000 : i32
    %ge3A_488 = arith.cmpi sge, %reduce_max3A_176, %ge3A_487 : i32
    %convert_element_type3A_489 = arith.extui %ge3A_488 : i1 to i32
    %cond3A_490 = arith.constant 0 : i32
    %cond3A_491 = arith.cmpi ne, %convert_element_type3A_489, %cond3A_490 : i32
    scf.if %cond3A_491 {
      %scan3A = arith.constant 0 : i32
      %scan3A_714 = arith.constant 0 : i32
      %scan3A_715 = arith.constant 256 : i32
      %scan3A_716 = arith.addi %scan3A_714, %scan3A_715 : i32
      %scan3A_717 = arith.constant 1 : i32
      %scan3A_718 = scf.for %scan3A_720 = %scan3A_714 to %scan3A_716 step %scan3A_717 iter_args(%scan3A_721 = %scan3A) -> (i32)  : i32 {
        %mul3A_722 = arith.constant 16 : i32
        %mul3A_723 = arith.muli %scan3A_720, %mul3A_722 : i32
        %swap3A_724 = arith.constant 1 : i32
        %swap3A_725 = arith.constant 4 : i32
        %swap3A_726 = arith.index_cast %swap3A_724 : i32 to index
        %swap3A_727 = arith.index_cast %swap3A_725 : i32 to index
        %swap3A_728 = arith.index_cast %mul3A_723 : i32 to index
        %swap3A_729 = tpu.vector_load %arg7[%swap3A_726, %swap3A_727, %swap3A_728] {strides = array<i32>} : memref<3x8x4096xf32, #tpu.memory_space<vmem>>, vector<16xf32>,
        tpu.vector_store %arg7[%swap3A_726, %swap3A_727, %swap3A_728], %broadcast_in_dim3A_16 {strides = array<i32>} : memref<3x8x4096xf32, #tpu.memory_space<vmem>>, vector<16xf32>,
        %scan3A_730 = arith.constant 0 : i32
        scf.yield %scan3A_730 : i32
      }
      %scan3A_719 = arith.constant 256 : i32
    } else {
    }
    %ge3A_492 = arith.constant 1000 : i32
    %ge3A_493 = arith.cmpi sge, %reduce_max3A_187, %ge3A_492 : i32
    %convert_element_type3A_494 = arith.extui %ge3A_493 : i1 to i32
    %cond3A_495 = arith.constant 0 : i32
    %cond3A_496 = arith.cmpi ne, %convert_element_type3A_494, %cond3A_495 : i32
    scf.if %cond3A_496 {
      %scan3A = arith.constant 0 : i32
      %scan3A_714 = arith.constant 0 : i32
      %scan3A_715 = arith.constant 256 : i32
      %scan3A_716 = arith.addi %scan3A_714, %scan3A_715 : i32
      %scan3A_717 = arith.constant 1 : i32
      %scan3A_718 = scf.for %scan3A_720 = %scan3A_714 to %scan3A_716 step %scan3A_717 iter_args(%scan3A_721 = %scan3A) -> (i32)  : i32 {
        %mul3A_722 = arith.constant 16 : i32
        %mul3A_723 = arith.muli %scan3A_720, %mul3A_722 : i32
        %swap3A_724 = arith.constant 1 : i32
        %swap3A_725 = arith.constant 5 : i32
        %swap3A_726 = arith.index_cast %swap3A_724 : i32 to index
        %swap3A_727 = arith.index_cast %swap3A_725 : i32 to index
        %swap3A_728 = arith.index_cast %mul3A_723 : i32 to index
        %swap3A_729 = tpu.vector_load %arg7[%swap3A_726, %swap3A_727, %swap3A_728] {strides = array<i32>} : memref<3x8x4096xf32, #tpu.memory_space<vmem>>, vector<16xf32>,
        tpu.vector_store %arg7[%swap3A_726, %swap3A_727, %swap3A_728], %broadcast_in_dim3A_16 {strides = array<i32>} : memref<3x8x4096xf32, #tpu.memory_space<vmem>>, vector<16xf32>,
        %scan3A_730 = arith.constant 0 : i32
        scf.yield %scan3A_730 : i32
      }
      %scan3A_719 = arith.constant 256 : i32
    } else {
    }
    %ge3A_497 = arith.constant 1000 : i32
    %ge3A_498 = arith.cmpi sge, %reduce_max3A_198, %ge3A_497 : i32
    %convert_element_type3A_499 = arith.extui %ge3A_498 : i1 to i32
    %cond3A_500 = arith.constant 0 : i32
    %cond3A_501 = arith.cmpi ne, %convert_element_type3A_499, %cond3A_500 : i32
    scf.if %cond3A_501 {
      %scan3A = arith.constant 0 : i32
      %scan3A_714 = arith.constant 0 : i32
      %scan3A_715 = arith.constant 256 : i32
      %scan3A_716 = arith.addi %scan3A_714, %scan3A_715 : i32
      %scan3A_717 = arith.constant 1 : i32
      %scan3A_718 = scf.for %scan3A_720 = %scan3A_714 to %scan3A_716 step %scan3A_717 iter_args(%scan3A_721 = %scan3A) -> (i32)  : i32 {
        %mul3A_722 = arith.constant 16 : i32
        %mul3A_723 = arith.muli %scan3A_720, %mul3A_722 : i32
        %swap3A_724 = arith.constant 1 : i32
        %swap3A_725 = arith.constant 6 : i32
        %swap3A_726 = arith.index_cast %swap3A_724 : i32 to index
        %swap3A_727 = arith.index_cast %swap3A_725 : i32 to index
        %swap3A_728 = arith.index_cast %mul3A_723 : i32 to index
        %swap3A_729 = tpu.vector_load %arg7[%swap3A_726, %swap3A_727, %swap3A_728] {strides = array<i32>} : memref<3x8x4096xf32, #tpu.memory_space<vmem>>, vector<16xf32>,
        tpu.vector_store %arg7[%swap3A_726, %swap3A_727, %swap3A_728], %broadcast_in_dim3A_16 {strides = array<i32>} : memref<3x8x4096xf32, #tpu.memory_space<vmem>>, vector<16xf32>,
        %scan3A_730 = arith.constant 0 : i32
        scf.yield %scan3A_730 : i32
      }
      %scan3A_719 = arith.constant 256 : i32
    } else {
    }
    %ge3A_502 = arith.constant 1000 : i32
    %ge3A_503 = arith.cmpi sge, %reduce_max3A_209, %ge3A_502 : i32
    %convert_element_type3A_504 = arith.extui %ge3A_503 : i1 to i32
    %cond3A_505 = arith.constant 0 : i32
    %cond3A_506 = arith.cmpi ne, %convert_element_type3A_504, %cond3A_505 : i32
    scf.if %cond3A_506 {
      %scan3A = arith.constant 0 : i32
      %scan3A_714 = arith.constant 0 : i32
      %scan3A_715 = arith.constant 256 : i32
      %scan3A_716 = arith.addi %scan3A_714, %scan3A_715 : i32
      %scan3A_717 = arith.constant 1 : i32
      %scan3A_718 = scf.for %scan3A_720 = %scan3A_714 to %scan3A_716 step %scan3A_717 iter_args(%scan3A_721 = %scan3A) -> (i32)  : i32 {
        %mul3A_722 = arith.constant 16 : i32
        %mul3A_723 = arith.muli %scan3A_720, %mul3A_722 : i32
        %swap3A_724 = arith.constant 1 : i32
        %swap3A_725 = arith.constant 7 : i32
        %swap3A_726 = arith.index_cast %swap3A_724 : i32 to index
        %swap3A_727 = arith.index_cast %swap3A_725 : i32 to index
        %swap3A_728 = arith.index_cast %mul3A_723 : i32 to index
        %swap3A_729 = tpu.vector_load %arg7[%swap3A_726, %swap3A_727, %swap3A_728] {strides = array<i32>} : memref<3x8x4096xf32, #tpu.memory_space<vmem>>, vector<16xf32>,
        tpu.vector_store %arg7[%swap3A_726, %swap3A_727, %swap3A_728], %broadcast_in_dim3A_16 {strides = array<i32>} : memref<3x8x4096xf32, #tpu.memory_space<vmem>>, vector<16xf32>,
        %scan3A_730 = arith.constant 0 : i32
        scf.yield %scan3A_730 : i32
      }
      %scan3A_719 = arith.constant 256 : i32
    } else {
    }
    %add3A_507 = arith.constant 8 : i32
    %add3A_508 = arith.addi %min3A_3, %add3A_507 : i32
    %dma_start3A_509 = arith.constant 1 : i32
    %dma_start3A_510 = arith.constant 0 : i32
    %dma_start3A_511 = arith.constant 0 : i32
    %dma_start3A_512 = tpu.memref_slice %arg7[%dma_start3A_509, %dma_start3A_510, %dma_start3A_511] : memref<3x8x4096xf32, #tpu.memory_space<vmem>> -> memref<1x8x4096xf32, #tpu.memory_space<vmem>>
    %dma_start3A_513 = tpu.memref_squeeze %dma_start3A_512 : memref<1x8x4096xf32, #tpu.memory_space<vmem>> -> memref<8x4096xf32, #tpu.memory_space<vmem>>
    %dma_start3A_514 = arith.constant 0 : i32
    %dma_start3A_515 = tpu.memref_slice %arg4[%add3A_508, %dma_start3A_514] : memref<1000x4096xf32, #tpu.memory_space<hbm>> -> memref<8x4096xf32, #tpu.memory_space<hbm>>
    %dma_start3A_516 = arith.constant 0 : i32
    %dma_start3A_517 = tpu.memref_slice %arg4[%add3A_508, %dma_start3A_516] : memref<1000x4096xf32, #tpu.memory_space<hbm>> -> memref<8x4096xf32, #tpu.memory_space<hbm>>
    %dma_start3A_518 = arith.constant 0 : i32
    %dma_start3A_519 = arith.constant 0 : i32
    %dma_start3A_520 = tpu.memref_slice %arg7[%dma_start3A_509, %dma_start3A_518, %dma_start3A_519] : memref<3x8x4096xf32, #tpu.memory_space<vmem>> -> memref<1x8x4096xf32, #tpu.memory_space<vmem>>
    %dma_start3A_521 = tpu.memref_squeeze %dma_start3A_520 : memref<1x8x4096xf32, #tpu.memory_space<vmem>> -> memref<8x4096xf32, #tpu.memory_space<vmem>>
    tpu.enqueue_dma source(%dma_start3A_521 : memref<8x4096xf32, #tpu.memory_space<vmem>>) target(%dma_start3A_517 : memref<8x4096xf32, #tpu.memory_space<hbm>>) target_semaphore(%arg11 : memref<!tpu.dma_semaphore, #tpu.memory_space<semaphore_mem>>)
    %dma_wait3A_522 = arith.constant 0 : i32
    %dma_wait3A_523 = arith.constant 0 : i32
    %dma_wait3A_524 = arith.constant 0 : i32
    %dma_wait3A_525 = tpu.memref_slice %arg7[%dma_wait3A_522, %dma_wait3A_523, %dma_wait3A_524] : memref<3x8x4096xf32, #tpu.memory_space<vmem>> -> memref<1x8x4096xf32, #tpu.memory_space<vmem>>
    %dma_wait3A_526 = tpu.memref_squeeze %dma_wait3A_525 : memref<1x8x4096xf32, #tpu.memory_space<vmem>> -> memref<8x4096xf32, #tpu.memory_space<vmem>>
    %dma_wait3A_527 = arith.constant 0 : i32
    %dma_wait3A_528 = tpu.memref_slice %arg4[%add3A_433, %dma_wait3A_527] : memref<1000x4096xf32, #tpu.memory_space<hbm>> -> memref<8x4096xf32, #tpu.memory_space<hbm>>
    %dma_wait3A_529 = arith.constant 0 : i32
    %dma_wait3A_530 = tpu.memref_slice %arg4[%add3A_433, %dma_wait3A_529] : memref<1000x4096xf32, #tpu.memory_space<hbm>> -> memref<8x4096xf32, #tpu.memory_space<hbm>>
    %dma_wait3A_531 = arith.constant 0 : i32
    %dma_wait3A_532 = arith.constant 0 : i32
    %dma_wait3A_533 = tpu.memref_slice %arg7[%dma_wait3A_522, %dma_wait3A_531, %dma_wait3A_532] : memref<3x8x4096xf32, #tpu.memory_space<vmem>> -> memref<1x8x4096xf32, #tpu.memory_space<vmem>>
    %dma_wait3A_534 = tpu.memref_squeeze %dma_wait3A_533 : memref<1x8x4096xf32, #tpu.memory_space<vmem>> -> memref<8x4096xf32, #tpu.memory_space<vmem>>
    tpu.wait_dma2 semaphore(%arg10 : memref<!tpu.dma_semaphore, #tpu.memory_space<semaphore_mem>>) src(%dma_wait3A_534 : memref<8x4096xf32, #tpu.memory_space<vmem>>) dst(%dma_wait3A_530 : memref<8x4096xf32, #tpu.memory_space<hbm>>)
    %dma_start3A_535 = arith.constant 0 : i32
    %dma_start3A_536 = arith.constant 0 : i32
    %dma_start3A_537 = arith.constant 0 : i32
    %dma_start3A_538 = tpu.memref_slice %arg7[%dma_start3A_535, %dma_start3A_536, %dma_start3A_537] : memref<3x8x4096xf32, #tpu.memory_space<vmem>> -> memref<1x8x4096xf32, #tpu.memory_space<vmem>>
    %dma_start3A_539 = tpu.memref_squeeze %dma_start3A_538 : memref<1x8x4096xf32, #tpu.memory_space<vmem>> -> memref<8x4096xf32, #tpu.memory_space<vmem>>
    %dma_start3A_540 = arith.constant 24 : i32
    %dma_start3A_541 = tpu.memref_slice %arg6[%dma_start3A_540] : memref<32xi32, #tpu.memory_space<vmem>> -> memref<8xi32, #tpu.memory_space<vmem>>
    %dma_start3A_542 = arith.constant 0 : i32
    %dma_start3A_543 = arith.constant 0 : i32
    %dma_start3A_544 = tpu.memref_slice %arg2[%dma_start3A_542, %dma_start3A_543] : memref<1000x4096xf32, #tpu.memory_space<hbm>> -> memref<1000x4096xf32, #tpu.memory_space<hbm>>
    tpu.enqueue_indirect_dma source(%dma_start3A_544 : memref<1000x4096xf32, #tpu.memory_space<hbm>>) target(%dma_start3A_539 : memref<8x4096xf32, #tpu.memory_space<vmem>>) offsets(%dma_start3A_541 : memref<8xi32, #tpu.memory_space<vmem>>) semaphore(%arg9 : memref<!tpu.dma_semaphore, #tpu.memory_space<semaphore_mem>>)
    %dma_wait3A_545 = arith.constant 2 : i32
    %dma_wait3A_546 = arith.constant 0 : i32
    %dma_wait3A_547 = arith.constant 0 : i32
    %dma_wait3A_548 = tpu.memref_slice %arg7[%dma_wait3A_545, %dma_wait3A_546, %dma_wait3A_547] : memref<3x8x4096xf32, #tpu.memory_space<vmem>> -> memref<1x8x4096xf32, #tpu.memory_space<vmem>>
    %dma_wait3A_549 = tpu.memref_squeeze %dma_wait3A_548 : memref<1x8x4096xf32, #tpu.memory_space<vmem>> -> memref<8x4096xf32, #tpu.memory_space<vmem>>
    %dma_wait3A_550 = arith.constant 16 : i32
    %dma_wait3A_551 = tpu.memref_slice %arg6[%dma_wait3A_550] : memref<32xi32, #tpu.memory_space<vmem>> -> memref<8xi32, #tpu.memory_space<vmem>>
    %dma_wait3A_552 = arith.constant 0 : i32
    %dma_wait3A_553 = arith.constant 0 : i32
    %dma_wait3A_554 = tpu.memref_slice %arg2[%dma_wait3A_552, %dma_wait3A_553] : memref<1000x4096xf32, #tpu.memory_space<hbm>> -> memref<1000x4096xf32, #tpu.memory_space<hbm>>
    tpu.wait_indirect_dma semaphore(%arg8 : memref<!tpu.dma_semaphore, #tpu.memory_space<semaphore_mem>>) src(%dma_wait3A_554 : memref<1000x4096xf32, #tpu.memory_space<hbm>>) dst(%dma_wait3A_549 : memref<8x4096xf32, #tpu.memory_space<vmem>>)
    %ge3A_555 = arith.constant 1000 : i32
    %ge3A_556 = arith.cmpi sge, %reduce_max3A_220, %ge3A_555 : i32
    %convert_element_type3A_557 = arith.extui %ge3A_556 : i1 to i32
    %cond3A_558 = arith.constant 0 : i32
    %cond3A_559 = arith.cmpi ne, %convert_element_type3A_557, %cond3A_558 : i32
    scf.if %cond3A_559 {
      %scan3A = arith.constant 0 : i32
      %scan3A_714 = arith.constant 0 : i32
      %scan3A_715 = arith.constant 256 : i32
      %scan3A_716 = arith.addi %scan3A_714, %scan3A_715 : i32
      %scan3A_717 = arith.constant 1 : i32
      %scan3A_718 = scf.for %scan3A_720 = %scan3A_714 to %scan3A_716 step %scan3A_717 iter_args(%scan3A_721 = %scan3A) -> (i32)  : i32 {
        %mul3A_722 = arith.constant 16 : i32
        %mul3A_723 = arith.muli %scan3A_720, %mul3A_722 : i32
        %swap3A_724 = arith.constant 2 : i32
        %swap3A_725 = arith.constant 0 : i32
        %swap3A_726 = arith.index_cast %swap3A_724 : i32 to index
        %swap3A_727 = arith.index_cast %swap3A_725 : i32 to index
        %swap3A_728 = arith.index_cast %mul3A_723 : i32 to index
        %swap3A_729 = tpu.vector_load %arg7[%swap3A_726, %swap3A_727, %swap3A_728] {strides = array<i32>} : memref<3x8x4096xf32, #tpu.memory_space<vmem>>, vector<16xf32>,
        tpu.vector_store %arg7[%swap3A_726, %swap3A_727, %swap3A_728], %broadcast_in_dim3A_16 {strides = array<i32>} : memref<3x8x4096xf32, #tpu.memory_space<vmem>>, vector<16xf32>,
        %scan3A_730 = arith.constant 0 : i32
        scf.yield %scan3A_730 : i32
      }
      %scan3A_719 = arith.constant 256 : i32
    } else {
    }
    %ge3A_560 = arith.constant 1000 : i32
    %ge3A_561 = arith.cmpi sge, %reduce_max3A_231, %ge3A_560 : i32
    %convert_element_type3A_562 = arith.extui %ge3A_561 : i1 to i32
    %cond3A_563 = arith.constant 0 : i32
    %cond3A_564 = arith.cmpi ne, %convert_element_type3A_562, %cond3A_563 : i32
    scf.if %cond3A_564 {
      %scan3A = arith.constant 0 : i32
      %scan3A_714 = arith.constant 0 : i32
      %scan3A_715 = arith.constant 256 : i32
      %scan3A_716 = arith.addi %scan3A_714, %scan3A_715 : i32
      %scan3A_717 = arith.constant 1 : i32
      %scan3A_718 = scf.for %scan3A_720 = %scan3A_714 to %scan3A_716 step %scan3A_717 iter_args(%scan3A_721 = %scan3A) -> (i32)  : i32 {
        %mul3A_722 = arith.constant 16 : i32
        %mul3A_723 = arith.muli %scan3A_720, %mul3A_722 : i32
        %swap3A_724 = arith.constant 2 : i32
        %swap3A_725 = arith.constant 1 : i32
        %swap3A_726 = arith.index_cast %swap3A_724 : i32 to index
        %swap3A_727 = arith.index_cast %swap3A_725 : i32 to index
        %swap3A_728 = arith.index_cast %mul3A_723 : i32 to index
        %swap3A_729 = tpu.vector_load %arg7[%swap3A_726, %swap3A_727, %swap3A_728] {strides = array<i32>} : memref<3x8x4096xf32, #tpu.memory_space<vmem>>, vector<16xf32>,
        tpu.vector_store %arg7[%swap3A_726, %swap3A_727, %swap3A_728], %broadcast_in_dim3A_16 {strides = array<i32>} : memref<3x8x4096xf32, #tpu.memory_space<vmem>>, vector<16xf32>,
        %scan3A_730 = arith.constant 0 : i32
        scf.yield %scan3A_730 : i32
      }
      %scan3A_719 = arith.constant 256 : i32
    } else {
    }
    %ge3A_565 = arith.constant 1000 : i32
    %ge3A_566 = arith.cmpi sge, %reduce_max3A_242, %ge3A_565 : i32
    %convert_element_type3A_567 = arith.extui %ge3A_566 : i1 to i32
    %cond3A_568 = arith.constant 0 : i32
    %cond3A_569 = arith.cmpi ne, %convert_element_type3A_567, %cond3A_568 : i32
    scf.if %cond3A_569 {
      %scan3A = arith.constant 0 : i32
      %scan3A_714 = arith.constant 0 : i32
      %scan3A_715 = arith.constant 256 : i32
      %scan3A_716 = arith.addi %scan3A_714, %scan3A_715 : i32
      %scan3A_717 = arith.constant 1 : i32
      %scan3A_718 = scf.for %scan3A_720 = %scan3A_714 to %scan3A_716 step %scan3A_717 iter_args(%scan3A_721 = %scan3A) -> (i32)  : i32 {
        %mul3A_722 = arith.constant 16 : i32
        %mul3A_723 = arith.muli %scan3A_720, %mul3A_722 : i32
        %swap3A_724 = arith.constant 2 : i32
        %swap3A_725 = arith.constant 2 : i32
        %swap3A_726 = arith.index_cast %swap3A_724 : i32 to index
        %swap3A_727 = arith.index_cast %swap3A_725 : i32 to index
        %swap3A_728 = arith.index_cast %mul3A_723 : i32 to index
        %swap3A_729 = tpu.vector_load %arg7[%swap3A_726, %swap3A_727, %swap3A_728] {strides = array<i32>} : memref<3x8x4096xf32, #tpu.memory_space<vmem>>, vector<16xf32>,
        tpu.vector_store %arg7[%swap3A_726, %swap3A_727, %swap3A_728], %broadcast_in_dim3A_16 {strides = array<i32>} : memref<3x8x4096xf32, #tpu.memory_space<vmem>>, vector<16xf32>,
        %scan3A_730 = arith.constant 0 : i32
        scf.yield %scan3A_730 : i32
      }
      %scan3A_719 = arith.constant 256 : i32
    } else {
    }
    %ge3A_570 = arith.constant 1000 : i32
    %ge3A_571 = arith.cmpi sge, %reduce_max3A_253, %ge3A_570 : i32
    %convert_element_type3A_572 = arith.extui %ge3A_571 : i1 to i32
    %cond3A_573 = arith.constant 0 : i32
    %cond3A_574 = arith.cmpi ne, %convert_element_type3A_572, %cond3A_573 : i32
    scf.if %cond3A_574 {
      %scan3A = arith.constant 0 : i32
      %scan3A_714 = arith.constant 0 : i32
      %scan3A_715 = arith.constant 256 : i32
      %scan3A_716 = arith.addi %scan3A_714, %scan3A_715 : i32
      %scan3A_717 = arith.constant 1 : i32
      %scan3A_718 = scf.for %scan3A_720 = %scan3A_714 to %scan3A_716 step %scan3A_717 iter_args(%scan3A_721 = %scan3A) -> (i32)  : i32 {
        %mul3A_722 = arith.constant 16 : i32
        %mul3A_723 = arith.muli %scan3A_720, %mul3A_722 : i32
        %swap3A_724 = arith.constant 2 : i32
        %swap3A_725 = arith.constant 3 : i32
        %swap3A_726 = arith.index_cast %swap3A_724 : i32 to index
        %swap3A_727 = arith.index_cast %swap3A_725 : i32 to index
        %swap3A_728 = arith.index_cast %mul3A_723 : i32 to index
        %swap3A_729 = tpu.vector_load %arg7[%swap3A_726, %swap3A_727, %swap3A_728] {strides = array<i32>} : memref<3x8x4096xf32, #tpu.memory_space<vmem>>, vector<16xf32>,
        tpu.vector_store %arg7[%swap3A_726, %swap3A_727, %swap3A_728], %broadcast_in_dim3A_16 {strides = array<i32>} : memref<3x8x4096xf32, #tpu.memory_space<vmem>>, vector<16xf32>,
        %scan3A_730 = arith.constant 0 : i32
        scf.yield %scan3A_730 : i32
      }
      %scan3A_719 = arith.constant 256 : i32
    } else {
    }
    %ge3A_575 = arith.constant 1000 : i32
    %ge3A_576 = arith.cmpi sge, %reduce_max3A_264, %ge3A_575 : i32
    %convert_element_type3A_577 = arith.extui %ge3A_576 : i1 to i32
    %cond3A_578 = arith.constant 0 : i32
    %cond3A_579 = arith.cmpi ne, %convert_element_type3A_577, %cond3A_578 : i32
    scf.if %cond3A_579 {
      %scan3A = arith.constant 0 : i32
      %scan3A_714 = arith.constant 0 : i32
      %scan3A_715 = arith.constant 256 : i32
      %scan3A_716 = arith.addi %scan3A_714, %scan3A_715 : i32
      %scan3A_717 = arith.constant 1 : i32
      %scan3A_718 = scf.for %scan3A_720 = %scan3A_714 to %scan3A_716 step %scan3A_717 iter_args(%scan3A_721 = %scan3A) -> (i32)  : i32 {
        %mul3A_722 = arith.constant 16 : i32
        %mul3A_723 = arith.muli %scan3A_720, %mul3A_722 : i32
        %swap3A_724 = arith.constant 2 : i32
        %swap3A_725 = arith.constant 4 : i32
        %swap3A_726 = arith.index_cast %swap3A_724 : i32 to index
        %swap3A_727 = arith.index_cast %swap3A_725 : i32 to index
        %swap3A_728 = arith.index_cast %mul3A_723 : i32 to index
        %swap3A_729 = tpu.vector_load %arg7[%swap3A_726, %swap3A_727, %swap3A_728] {strides = array<i32>} : memref<3x8x4096xf32, #tpu.memory_space<vmem>>, vector<16xf32>,
        tpu.vector_store %arg7[%swap3A_726, %swap3A_727, %swap3A_728], %broadcast_in_dim3A_16 {strides = array<i32>} : memref<3x8x4096xf32, #tpu.memory_space<vmem>>, vector<16xf32>,
        %scan3A_730 = arith.constant 0 : i32
        scf.yield %scan3A_730 : i32
      }
      %scan3A_719 = arith.constant 256 : i32
    } else {
    }
    %ge3A_580 = arith.constant 1000 : i32
    %ge3A_581 = arith.cmpi sge, %reduce_max3A_275, %ge3A_580 : i32
    %convert_element_type3A_582 = arith.extui %ge3A_581 : i1 to i32
    %cond3A_583 = arith.constant 0 : i32
    %cond3A_584 = arith.cmpi ne, %convert_element_type3A_582, %cond3A_583 : i32
    scf.if %cond3A_584 {
      %scan3A = arith.constant 0 : i32
      %scan3A_714 = arith.constant 0 : i32
      %scan3A_715 = arith.constant 256 : i32
      %scan3A_716 = arith.addi %scan3A_714, %scan3A_715 : i32
      %scan3A_717 = arith.constant 1 : i32
      %scan3A_718 = scf.for %scan3A_720 = %scan3A_714 to %scan3A_716 step %scan3A_717 iter_args(%scan3A_721 = %scan3A) -> (i32)  : i32 {
        %mul3A_722 = arith.constant 16 : i32
        %mul3A_723 = arith.muli %scan3A_720, %mul3A_722 : i32
        %swap3A_724 = arith.constant 2 : i32
        %swap3A_725 = arith.constant 5 : i32
        %swap3A_726 = arith.index_cast %swap3A_724 : i32 to index
        %swap3A_727 = arith.index_cast %swap3A_725 : i32 to index
        %swap3A_728 = arith.index_cast %mul3A_723 : i32 to index
        %swap3A_729 = tpu.vector_load %arg7[%swap3A_726, %swap3A_727, %swap3A_728] {strides = array<i32>} : memref<3x8x4096xf32, #tpu.memory_space<vmem>>, vector<16xf32>,
        tpu.vector_store %arg7[%swap3A_726, %swap3A_727, %swap3A_728], %broadcast_in_dim3A_16 {strides = array<i32>} : memref<3x8x4096xf32, #tpu.memory_space<vmem>>, vector<16xf32>,
        %scan3A_730 = arith.constant 0 : i32
        scf.yield %scan3A_730 : i32
      }
      %scan3A_719 = arith.constant 256 : i32
    } else {
    }
    %ge3A_585 = arith.constant 1000 : i32
    %ge3A_586 = arith.cmpi sge, %reduce_max3A_286, %ge3A_585 : i32
    %convert_element_type3A_587 = arith.extui %ge3A_586 : i1 to i32
    %cond3A_588 = arith.constant 0 : i32
    %cond3A_589 = arith.cmpi ne, %convert_element_type3A_587, %cond3A_588 : i32
    scf.if %cond3A_589 {
      %scan3A = arith.constant 0 : i32
      %scan3A_714 = arith.constant 0 : i32
      %scan3A_715 = arith.constant 256 : i32
      %scan3A_716 = arith.addi %scan3A_714, %scan3A_715 : i32
      %scan3A_717 = arith.constant 1 : i32
      %scan3A_718 = scf.for %scan3A_720 = %scan3A_714 to %scan3A_716 step %scan3A_717 iter_args(%scan3A_721 = %scan3A) -> (i32)  : i32 {
        %mul3A_722 = arith.constant 16 : i32
        %mul3A_723 = arith.muli %scan3A_720, %mul3A_722 : i32
        %swap3A_724 = arith.constant 2 : i32
        %swap3A_725 = arith.constant 6 : i32
        %swap3A_726 = arith.index_cast %swap3A_724 : i32 to index
        %swap3A_727 = arith.index_cast %swap3A_725 : i32 to index
        %swap3A_728 = arith.index_cast %mul3A_723 : i32 to index
        %swap3A_729 = tpu.vector_load %arg7[%swap3A_726, %swap3A_727, %swap3A_728] {strides = array<i32>} : memref<3x8x4096xf32, #tpu.memory_space<vmem>>, vector<16xf32>,
        tpu.vector_store %arg7[%swap3A_726, %swap3A_727, %swap3A_728], %broadcast_in_dim3A_16 {strides = array<i32>} : memref<3x8x4096xf32, #tpu.memory_space<vmem>>, vector<16xf32>,
        %scan3A_730 = arith.constant 0 : i32
        scf.yield %scan3A_730 : i32
      }
      %scan3A_719 = arith.constant 256 : i32
    } else {
    }
    %ge3A_590 = arith.constant 1000 : i32
    %ge3A_591 = arith.cmpi sge, %reduce_max3A_297, %ge3A_590 : i32
    %convert_element_type3A_592 = arith.extui %ge3A_591 : i1 to i32
    %cond3A_593 = arith.constant 0 : i32
    %cond3A_594 = arith.cmpi ne, %convert_element_type3A_592, %cond3A_593 : i32
    scf.if %cond3A_594 {
      %scan3A = arith.constant 0 : i32
      %scan3A_714 = arith.constant 0 : i32
      %scan3A_715 = arith.constant 256 : i32
      %scan3A_716 = arith.addi %scan3A_714, %scan3A_715 : i32
      %scan3A_717 = arith.constant 1 : i32
      %scan3A_718 = scf.for %scan3A_720 = %scan3A_714 to %scan3A_716 step %scan3A_717 iter_args(%scan3A_721 = %scan3A) -> (i32)  : i32 {
        %mul3A_722 = arith.constant 16 : i32
        %mul3A_723 = arith.muli %scan3A_720, %mul3A_722 : i32
        %swap3A_724 = arith.constant 2 : i32
        %swap3A_725 = arith.constant 7 : i32
        %swap3A_726 = arith.index_cast %swap3A_724 : i32 to index
        %swap3A_727 = arith.index_cast %swap3A_725 : i32 to index
        %swap3A_728 = arith.index_cast %mul3A_723 : i32 to index
        %swap3A_729 = tpu.vector_load %arg7[%swap3A_726, %swap3A_727, %swap3A_728] {strides = array<i32>} : memref<3x8x4096xf32, #tpu.memory_space<vmem>>, vector<16xf32>,
        tpu.vector_store %arg7[%swap3A_726, %swap3A_727, %swap3A_728], %broadcast_in_dim3A_16 {strides = array<i32>} : memref<3x8x4096xf32, #tpu.memory_space<vmem>>, vector<16xf32>,
        %scan3A_730 = arith.constant 0 : i32
        scf.yield %scan3A_730 : i32
      }
      %scan3A_719 = arith.constant 256 : i32
    } else {
    }
    %add3A_595 = arith.constant 16 : i32
    %add3A_596 = arith.addi %min3A_3, %add3A_595 : i32
    %dma_start3A_597 = arith.constant 2 : i32
    %dma_start3A_598 = arith.constant 0 : i32
    %dma_start3A_599 = arith.constant 0 : i32
    %dma_start3A_600 = tpu.memref_slice %arg7[%dma_start3A_597, %dma_start3A_598, %dma_start3A_599] : memref<3x8x4096xf32, #tpu.memory_space<vmem>> -> memref<1x8x4096xf32, #tpu.memory_space<vmem>>
    %dma_start3A_601 = tpu.memref_squeeze %dma_start3A_600 : memref<1x8x4096xf32, #tpu.memory_space<vmem>> -> memref<8x4096xf32, #tpu.memory_space<vmem>>
    %dma_start3A_602 = arith.constant 0 : i32
    %dma_start3A_603 = tpu.memref_slice %arg4[%add3A_596, %dma_start3A_602] : memref<1000x4096xf32, #tpu.memory_space<hbm>> -> memref<8x4096xf32, #tpu.memory_space<hbm>>
    %dma_start3A_604 = arith.constant 0 : i32
    %dma_start3A_605 = tpu.memref_slice %arg4[%add3A_596, %dma_start3A_604] : memref<1000x4096xf32, #tpu.memory_space<hbm>> -> memref<8x4096xf32, #tpu.memory_space<hbm>>
    %dma_start3A_606 = arith.constant 0 : i32
    %dma_start3A_607 = arith.constant 0 : i32
    %dma_start3A_608 = tpu.memref_slice %arg7[%dma_start3A_597, %dma_start3A_606, %dma_start3A_607] : memref<3x8x4096xf32, #tpu.memory_space<vmem>> -> memref<1x8x4096xf32, #tpu.memory_space<vmem>>
    %dma_start3A_609 = tpu.memref_squeeze %dma_start3A_608 : memref<1x8x4096xf32, #tpu.memory_space<vmem>> -> memref<8x4096xf32, #tpu.memory_space<vmem>>
    tpu.enqueue_dma source(%dma_start3A_609 : memref<8x4096xf32, #tpu.memory_space<vmem>>) target(%dma_start3A_605 : memref<8x4096xf32, #tpu.memory_space<hbm>>) target_semaphore(%arg10 : memref<!tpu.dma_semaphore, #tpu.memory_space<semaphore_mem>>)
    %dma_wait3A_610 = arith.constant 0 : i32
    %dma_wait3A_611 = arith.constant 0 : i32
    %dma_wait3A_612 = arith.constant 0 : i32
    %dma_wait3A_613 = tpu.memref_slice %arg7[%dma_wait3A_610, %dma_wait3A_611, %dma_wait3A_612] : memref<3x8x4096xf32, #tpu.memory_space<vmem>> -> memref<1x8x4096xf32, #tpu.memory_space<vmem>>
    %dma_wait3A_614 = tpu.memref_squeeze %dma_wait3A_613 : memref<1x8x4096xf32, #tpu.memory_space<vmem>> -> memref<8x4096xf32, #tpu.memory_space<vmem>>
    %dma_wait3A_615 = arith.constant 24 : i32
    %dma_wait3A_616 = tpu.memref_slice %arg6[%dma_wait3A_615] : memref<32xi32, #tpu.memory_space<vmem>> -> memref<8xi32, #tpu.memory_space<vmem>>
    %dma_wait3A_617 = arith.constant 0 : i32
    %dma_wait3A_618 = arith.constant 0 : i32
    %dma_wait3A_619 = tpu.memref_slice %arg2[%dma_wait3A_617, %dma_wait3A_618] : memref<1000x4096xf32, #tpu.memory_space<hbm>> -> memref<1000x4096xf32, #tpu.memory_space<hbm>>
    tpu.wait_indirect_dma semaphore(%arg9 : memref<!tpu.dma_semaphore, #tpu.memory_space<semaphore_mem>>) src(%dma_wait3A_619 : memref<1000x4096xf32, #tpu.memory_space<hbm>>) dst(%dma_wait3A_614 : memref<8x4096xf32, #tpu.memory_space<vmem>>)
    %ge3A_620 = arith.constant 1000 : i32
    %ge3A_621 = arith.cmpi sge, %reduce_max3A_308, %ge3A_620 : i32
    %convert_element_type3A_622 = arith.extui %ge3A_621 : i1 to i32
    %cond3A_623 = arith.constant 0 : i32
    %cond3A_624 = arith.cmpi ne, %convert_element_type3A_622, %cond3A_623 : i32
    scf.if %cond3A_624 {
      %scan3A = arith.constant 0 : i32
      %scan3A_714 = arith.constant 0 : i32
      %scan3A_715 = arith.constant 256 : i32
      %scan3A_716 = arith.addi %scan3A_714, %scan3A_715 : i32
      %scan3A_717 = arith.constant 1 : i32
      %scan3A_718 = scf.for %scan3A_720 = %scan3A_714 to %scan3A_716 step %scan3A_717 iter_args(%scan3A_721 = %scan3A) -> (i32)  : i32 {
        %mul3A_722 = arith.constant 16 : i32
        %mul3A_723 = arith.muli %scan3A_720, %mul3A_722 : i32
        %swap3A_724 = arith.constant 0 : i32
        %swap3A_725 = arith.constant 0 : i32
        %swap3A_726 = arith.index_cast %swap3A_724 : i32 to index
        %swap3A_727 = arith.index_cast %swap3A_725 : i32 to index
        %swap3A_728 = arith.index_cast %mul3A_723 : i32 to index
        %swap3A_729 = tpu.vector_load %arg7[%swap3A_726, %swap3A_727, %swap3A_728] {strides = array<i32>} : memref<3x8x4096xf32, #tpu.memory_space<vmem>>, vector<16xf32>,
        tpu.vector_store %arg7[%swap3A_726, %swap3A_727, %swap3A_728], %broadcast_in_dim3A_16 {strides = array<i32>} : memref<3x8x4096xf32, #tpu.memory_space<vmem>>, vector<16xf32>,
        %scan3A_730 = arith.constant 0 : i32
        scf.yield %scan3A_730 : i32
      }
      %scan3A_719 = arith.constant 256 : i32
    } else {
    }
    %ge3A_625 = arith.constant 1000 : i32
    %ge3A_626 = arith.cmpi sge, %reduce_max3A_319, %ge3A_625 : i32
    %convert_element_type3A_627 = arith.extui %ge3A_626 : i1 to i32
    %cond3A_628 = arith.constant 0 : i32
    %cond3A_629 = arith.cmpi ne, %convert_element_type3A_627, %cond3A_628 : i32
    scf.if %cond3A_629 {
      %scan3A = arith.constant 0 : i32
      %scan3A_714 = arith.constant 0 : i32
      %scan3A_715 = arith.constant 256 : i32
      %scan3A_716 = arith.addi %scan3A_714, %scan3A_715 : i32
      %scan3A_717 = arith.constant 1 : i32
      %scan3A_718 = scf.for %scan3A_720 = %scan3A_714 to %scan3A_716 step %scan3A_717 iter_args(%scan3A_721 = %scan3A) -> (i32)  : i32 {
        %mul3A_722 = arith.constant 16 : i32
        %mul3A_723 = arith.muli %scan3A_720, %mul3A_722 : i32
        %swap3A_724 = arith.constant 0 : i32
        %swap3A_725 = arith.constant 1 : i32
        %swap3A_726 = arith.index_cast %swap3A_724 : i32 to index
        %swap3A_727 = arith.index_cast %swap3A_725 : i32 to index
        %swap3A_728 = arith.index_cast %mul3A_723 : i32 to index
        %swap3A_729 = tpu.vector_load %arg7[%swap3A_726, %swap3A_727, %swap3A_728] {strides = array<i32>} : memref<3x8x4096xf32, #tpu.memory_space<vmem>>, vector<16xf32>,
        tpu.vector_store %arg7[%swap3A_726, %swap3A_727, %swap3A_728], %broadcast_in_dim3A_16 {strides = array<i32>} : memref<3x8x4096xf32, #tpu.memory_space<vmem>>, vector<16xf32>,
        %scan3A_730 = arith.constant 0 : i32
        scf.yield %scan3A_730 : i32
      }
      %scan3A_719 = arith.constant 256 : i32
    } else {
    }
    %ge3A_630 = arith.constant 1000 : i32
    %ge3A_631 = arith.cmpi sge, %reduce_max3A_330, %ge3A_630 : i32
    %convert_element_type3A_632 = arith.extui %ge3A_631 : i1 to i32
    %cond3A_633 = arith.constant 0 : i32
    %cond3A_634 = arith.cmpi ne, %convert_element_type3A_632, %cond3A_633 : i32
    scf.if %cond3A_634 {
      %scan3A = arith.constant 0 : i32
      %scan3A_714 = arith.constant 0 : i32
      %scan3A_715 = arith.constant 256 : i32
      %scan3A_716 = arith.addi %scan3A_714, %scan3A_715 : i32
      %scan3A_717 = arith.constant 1 : i32
      %scan3A_718 = scf.for %scan3A_720 = %scan3A_714 to %scan3A_716 step %scan3A_717 iter_args(%scan3A_721 = %scan3A) -> (i32)  : i32 {
        %mul3A_722 = arith.constant 16 : i32
        %mul3A_723 = arith.muli %scan3A_720, %mul3A_722 : i32
        %swap3A_724 = arith.constant 0 : i32
        %swap3A_725 = arith.constant 2 : i32
        %swap3A_726 = arith.index_cast %swap3A_724 : i32 to index
        %swap3A_727 = arith.index_cast %swap3A_725 : i32 to index
        %swap3A_728 = arith.index_cast %mul3A_723 : i32 to index
        %swap3A_729 = tpu.vector_load %arg7[%swap3A_726, %swap3A_727, %swap3A_728] {strides = array<i32>} : memref<3x8x4096xf32, #tpu.memory_space<vmem>>, vector<16xf32>,
        tpu.vector_store %arg7[%swap3A_726, %swap3A_727, %swap3A_728], %broadcast_in_dim3A_16 {strides = array<i32>} : memref<3x8x4096xf32, #tpu.memory_space<vmem>>, vector<16xf32>,
        %scan3A_730 = arith.constant 0 : i32
        scf.yield %scan3A_730 : i32
      }
      %scan3A_719 = arith.constant 256 : i32
    } else {
    }
    %ge3A_635 = arith.constant 1000 : i32
    %ge3A_636 = arith.cmpi sge, %reduce_max3A_341, %ge3A_635 : i32
    %convert_element_type3A_637 = arith.extui %ge3A_636 : i1 to i32
    %cond3A_638 = arith.constant 0 : i32
    %cond3A_639 = arith.cmpi ne, %convert_element_type3A_637, %cond3A_638 : i32
    scf.if %cond3A_639 {
      %scan3A = arith.constant 0 : i32
      %scan3A_714 = arith.constant 0 : i32
      %scan3A_715 = arith.constant 256 : i32
      %scan3A_716 = arith.addi %scan3A_714, %scan3A_715 : i32
      %scan3A_717 = arith.constant 1 : i32
      %scan3A_718 = scf.for %scan3A_720 = %scan3A_714 to %scan3A_716 step %scan3A_717 iter_args(%scan3A_721 = %scan3A) -> (i32)  : i32 {
        %mul3A_722 = arith.constant 16 : i32
        %mul3A_723 = arith.muli %scan3A_720, %mul3A_722 : i32
        %swap3A_724 = arith.constant 0 : i32
        %swap3A_725 = arith.constant 3 : i32
        %swap3A_726 = arith.index_cast %swap3A_724 : i32 to index
        %swap3A_727 = arith.index_cast %swap3A_725 : i32 to index
        %swap3A_728 = arith.index_cast %mul3A_723 : i32 to index
        %swap3A_729 = tpu.vector_load %arg7[%swap3A_726, %swap3A_727, %swap3A_728] {strides = array<i32>} : memref<3x8x4096xf32, #tpu.memory_space<vmem>>, vector<16xf32>,
        tpu.vector_store %arg7[%swap3A_726, %swap3A_727, %swap3A_728], %broadcast_in_dim3A_16 {strides = array<i32>} : memref<3x8x4096xf32, #tpu.memory_space<vmem>>, vector<16xf32>,
        %scan3A_730 = arith.constant 0 : i32
        scf.yield %scan3A_730 : i32
      }
      %scan3A_719 = arith.constant 256 : i32
    } else {
    }
    %ge3A_640 = arith.constant 1000 : i32
    %ge3A_641 = arith.cmpi sge, %reduce_max3A_352, %ge3A_640 : i32
    %convert_element_type3A_642 = arith.extui %ge3A_641 : i1 to i32
    %cond3A_643 = arith.constant 0 : i32
    %cond3A_644 = arith.cmpi ne, %convert_element_type3A_642, %cond3A_643 : i32
    scf.if %cond3A_644 {
      %scan3A = arith.constant 0 : i32
      %scan3A_714 = arith.constant 0 : i32
      %scan3A_715 = arith.constant 256 : i32
      %scan3A_716 = arith.addi %scan3A_714, %scan3A_715 : i32
      %scan3A_717 = arith.constant 1 : i32
      %scan3A_718 = scf.for %scan3A_720 = %scan3A_714 to %scan3A_716 step %scan3A_717 iter_args(%scan3A_721 = %scan3A) -> (i32)  : i32 {
        %mul3A_722 = arith.constant 16 : i32
        %mul3A_723 = arith.muli %scan3A_720, %mul3A_722 : i32
        %swap3A_724 = arith.constant 0 : i32
        %swap3A_725 = arith.constant 4 : i32
        %swap3A_726 = arith.index_cast %swap3A_724 : i32 to index
        %swap3A_727 = arith.index_cast %swap3A_725 : i32 to index
        %swap3A_728 = arith.index_cast %mul3A_723 : i32 to index
        %swap3A_729 = tpu.vector_load %arg7[%swap3A_726, %swap3A_727, %swap3A_728] {strides = array<i32>} : memref<3x8x4096xf32, #tpu.memory_space<vmem>>, vector<16xf32>,
        tpu.vector_store %arg7[%swap3A_726, %swap3A_727, %swap3A_728], %broadcast_in_dim3A_16 {strides = array<i32>} : memref<3x8x4096xf32, #tpu.memory_space<vmem>>, vector<16xf32>,
        %scan3A_730 = arith.constant 0 : i32
        scf.yield %scan3A_730 : i32
      }
      %scan3A_719 = arith.constant 256 : i32
    } else {
    }
    %ge3A_645 = arith.constant 1000 : i32
    %ge3A_646 = arith.cmpi sge, %reduce_max3A_363, %ge3A_645 : i32
    %convert_element_type3A_647 = arith.extui %ge3A_646 : i1 to i32
    %cond3A_648 = arith.constant 0 : i32
    %cond3A_649 = arith.cmpi ne, %convert_element_type3A_647, %cond3A_648 : i32
    scf.if %cond3A_649 {
      %scan3A = arith.constant 0 : i32
      %scan3A_714 = arith.constant 0 : i32
      %scan3A_715 = arith.constant 256 : i32
      %scan3A_716 = arith.addi %scan3A_714, %scan3A_715 : i32
      %scan3A_717 = arith.constant 1 : i32
      %scan3A_718 = scf.for %scan3A_720 = %scan3A_714 to %scan3A_716 step %scan3A_717 iter_args(%scan3A_721 = %scan3A) -> (i32)  : i32 {
        %mul3A_722 = arith.constant 16 : i32
        %mul3A_723 = arith.muli %scan3A_720, %mul3A_722 : i32
        %swap3A_724 = arith.constant 0 : i32
        %swap3A_725 = arith.constant 5 : i32
        %swap3A_726 = arith.index_cast %swap3A_724 : i32 to index
        %swap3A_727 = arith.index_cast %swap3A_725 : i32 to index
        %swap3A_728 = arith.index_cast %mul3A_723 : i32 to index
        %swap3A_729 = tpu.vector_load %arg7[%swap3A_726, %swap3A_727, %swap3A_728] {strides = array<i32>} : memref<3x8x4096xf32, #tpu.memory_space<vmem>>, vector<16xf32>,
        tpu.vector_store %arg7[%swap3A_726, %swap3A_727, %swap3A_728], %broadcast_in_dim3A_16 {strides = array<i32>} : memref<3x8x4096xf32, #tpu.memory_space<vmem>>, vector<16xf32>,
        %scan3A_730 = arith.constant 0 : i32
        scf.yield %scan3A_730 : i32
      }
      %scan3A_719 = arith.constant 256 : i32
    } else {
    }
    %ge3A_650 = arith.constant 1000 : i32
    %ge3A_651 = arith.cmpi sge, %reduce_max3A_374, %ge3A_650 : i32
    %convert_element_type3A_652 = arith.extui %ge3A_651 : i1 to i32
    %cond3A_653 = arith.constant 0 : i32
    %cond3A_654 = arith.cmpi ne, %convert_element_type3A_652, %cond3A_653 : i32
    scf.if %cond3A_654 {
      %scan3A = arith.constant 0 : i32
      %scan3A_714 = arith.constant 0 : i32
      %scan3A_715 = arith.constant 256 : i32
      %scan3A_716 = arith.addi %scan3A_714, %scan3A_715 : i32
      %scan3A_717 = arith.constant 1 : i32
      %scan3A_718 = scf.for %scan3A_720 = %scan3A_714 to %scan3A_716 step %scan3A_717 iter_args(%scan3A_721 = %scan3A) -> (i32)  : i32 {
        %mul3A_722 = arith.constant 16 : i32
        %mul3A_723 = arith.muli %scan3A_720, %mul3A_722 : i32
        %swap3A_724 = arith.constant 0 : i32
        %swap3A_725 = arith.constant 6 : i32
        %swap3A_726 = arith.index_cast %swap3A_724 : i32 to index
        %swap3A_727 = arith.index_cast %swap3A_725 : i32 to index
        %swap3A_728 = arith.index_cast %mul3A_723 : i32 to index
        %swap3A_729 = tpu.vector_load %arg7[%swap3A_726, %swap3A_727, %swap3A_728] {strides = array<i32>} : memref<3x8x4096xf32, #tpu.memory_space<vmem>>, vector<16xf32>,
        tpu.vector_store %arg7[%swap3A_726, %swap3A_727, %swap3A_728], %broadcast_in_dim3A_16 {strides = array<i32>} : memref<3x8x4096xf32, #tpu.memory_space<vmem>>, vector<16xf32>,
        %scan3A_730 = arith.constant 0 : i32
        scf.yield %scan3A_730 : i32
      }
      %scan3A_719 = arith.constant 256 : i32
    } else {
    }
    %ge3A_655 = arith.constant 1000 : i32
    %ge3A_656 = arith.cmpi sge, %reduce_max3A_385, %ge3A_655 : i32
    %convert_element_type3A_657 = arith.extui %ge3A_656 : i1 to i32
    %cond3A_658 = arith.constant 0 : i32
    %cond3A_659 = arith.cmpi ne, %convert_element_type3A_657, %cond3A_658 : i32
    scf.if %cond3A_659 {
      %scan3A = arith.constant 0 : i32
      %scan3A_714 = arith.constant 0 : i32
      %scan3A_715 = arith.constant 256 : i32
      %scan3A_716 = arith.addi %scan3A_714, %scan3A_715 : i32
      %scan3A_717 = arith.constant 1 : i32
      %scan3A_718 = scf.for %scan3A_720 = %scan3A_714 to %scan3A_716 step %scan3A_717 iter_args(%scan3A_721 = %scan3A) -> (i32)  : i32 {
        %mul3A_722 = arith.constant 16 : i32
        %mul3A_723 = arith.muli %scan3A_720, %mul3A_722 : i32
        %swap3A_724 = arith.constant 0 : i32
        %swap3A_725 = arith.constant 7 : i32
        %swap3A_726 = arith.index_cast %swap3A_724 : i32 to index
        %swap3A_727 = arith.index_cast %swap3A_725 : i32 to index
        %swap3A_728 = arith.index_cast %mul3A_723 : i32 to index
        %swap3A_729 = tpu.vector_load %arg7[%swap3A_726, %swap3A_727, %swap3A_728] {strides = array<i32>} : memref<3x8x4096xf32, #tpu.memory_space<vmem>>, vector<16xf32>,
        tpu.vector_store %arg7[%swap3A_726, %swap3A_727, %swap3A_728], %broadcast_in_dim3A_16 {strides = array<i32>} : memref<3x8x4096xf32, #tpu.memory_space<vmem>>, vector<16xf32>,
        %scan3A_730 = arith.constant 0 : i32
        scf.yield %scan3A_730 : i32
      }
      %scan3A_719 = arith.constant 256 : i32
    } else {
    }
    %add3A_660 = arith.constant 24 : i32
    %add3A_661 = arith.addi %min3A_3, %add3A_660 : i32
    %dma_start3A_662 = arith.constant 0 : i32
    %dma_start3A_663 = arith.constant 0 : i32
    %dma_start3A_664 = arith.constant 0 : i32
    %dma_start3A_665 = tpu.memref_slice %arg7[%dma_start3A_662, %dma_start3A_663, %dma_start3A_664] : memref<3x8x4096xf32, #tpu.memory_space<vmem>> -> memref<1x8x4096xf32, #tpu.memory_space<vmem>>
    %dma_start3A_666 = tpu.memref_squeeze %dma_start3A_665 : memref<1x8x4096xf32, #tpu.memory_space<vmem>> -> memref<8x4096xf32, #tpu.memory_space<vmem>>
    %dma_start3A_667 = arith.constant 0 : i32
    %dma_start3A_668 = tpu.memref_slice %arg4[%add3A_661, %dma_start3A_667] : memref<1000x4096xf32, #tpu.memory_space<hbm>> -> memref<8x4096xf32, #tpu.memory_space<hbm>>
    %dma_start3A_669 = arith.constant 0 : i32
    %dma_start3A_670 = tpu.memref_slice %arg4[%add3A_661, %dma_start3A_669] : memref<1000x4096xf32, #tpu.memory_space<hbm>> -> memref<8x4096xf32, #tpu.memory_space<hbm>>
    %dma_start3A_671 = arith.constant 0 : i32
    %dma_start3A_672 = arith.constant 0 : i32
    %dma_start3A_673 = tpu.memref_slice %arg7[%dma_start3A_662, %dma_start3A_671, %dma_start3A_672] : memref<3x8x4096xf32, #tpu.memory_space<vmem>> -> memref<1x8x4096xf32, #tpu.memory_space<vmem>>
    %dma_start3A_674 = tpu.memref_squeeze %dma_start3A_673 : memref<1x8x4096xf32, #tpu.memory_space<vmem>> -> memref<8x4096xf32, #tpu.memory_space<vmem>>
    tpu.enqueue_dma source(%dma_start3A_674 : memref<8x4096xf32, #tpu.memory_space<vmem>>) target(%dma_start3A_670 : memref<8x4096xf32, #tpu.memory_space<hbm>>) target_semaphore(%arg11 : memref<!tpu.dma_semaphore, #tpu.memory_space<semaphore_mem>>)
    %dma_wait3A_675 = arith.constant 1 : i32
    %dma_wait3A_676 = arith.constant 0 : i32
    %dma_wait3A_677 = arith.constant 0 : i32
    %dma_wait3A_678 = tpu.memref_slice %arg7[%dma_wait3A_675, %dma_wait3A_676, %dma_wait3A_677] : memref<3x8x4096xf32, #tpu.memory_space<vmem>> -> memref<1x8x4096xf32, #tpu.memory_space<vmem>>
    %dma_wait3A_679 = tpu.memref_squeeze %dma_wait3A_678 : memref<1x8x4096xf32, #tpu.memory_space<vmem>> -> memref<8x4096xf32, #tpu.memory_space<vmem>>
    %dma_wait3A_680 = arith.constant 0 : i32
    %dma_wait3A_681 = tpu.memref_slice %arg4[%add3A_508, %dma_wait3A_680] : memref<1000x4096xf32, #tpu.memory_space<hbm>> -> memref<8x4096xf32, #tpu.memory_space<hbm>>
    %dma_wait3A_682 = arith.constant 0 : i32
    %dma_wait3A_683 = tpu.memref_slice %arg4[%add3A_508, %dma_wait3A_682] : memref<1000x4096xf32, #tpu.memory_space<hbm>> -> memref<8x4096xf32, #tpu.memory_space<hbm>>
    %dma_wait3A_684 = arith.constant 0 : i32
    %dma_wait3A_685 = arith.constant 0 : i32
    %dma_wait3A_686 = tpu.memref_slice %arg7[%dma_wait3A_675, %dma_wait3A_684, %dma_wait3A_685] : memref<3x8x4096xf32, #tpu.memory_space<vmem>> -> memref<1x8x4096xf32, #tpu.memory_space<vmem>>
    %dma_wait3A_687 = tpu.memref_squeeze %dma_wait3A_686 : memref<1x8x4096xf32, #tpu.memory_space<vmem>> -> memref<8x4096xf32, #tpu.memory_space<vmem>>
    tpu.wait_dma2 semaphore(%arg11 : memref<!tpu.dma_semaphore, #tpu.memory_space<semaphore_mem>>) src(%dma_wait3A_687 : memref<8x4096xf32, #tpu.memory_space<vmem>>) dst(%dma_wait3A_683 : memref<8x4096xf32, #tpu.memory_space<hbm>>)
    %dma_wait3A_688 = arith.constant 2 : i32
    %dma_wait3A_689 = arith.constant 0 : i32
    %dma_wait3A_690 = arith.constant 0 : i32
    %dma_wait3A_691 = tpu.memref_slice %arg7[%dma_wait3A_688, %dma_wait3A_689, %dma_wait3A_690] : memref<3x8x4096xf32, #tpu.memory_space<vmem>> -> memref<1x8x4096xf32, #tpu.memory_space<vmem>>
    %dma_wait3A_692 = tpu.memref_squeeze %dma_wait3A_691 : memref<1x8x4096xf32, #tpu.memory_space<vmem>> -> memref<8x4096xf32, #tpu.memory_space<vmem>>
    %dma_wait3A_693 = arith.constant 0 : i32
    %dma_wait3A_694 = tpu.memref_slice %arg4[%add3A_596, %dma_wait3A_693] : memref<1000x4096xf32, #tpu.memory_space<hbm>> -> memref<8x4096xf32, #tpu.memory_space<hbm>>
    %dma_wait3A_695 = arith.constant 0 : i32
    %dma_wait3A_696 = tpu.memref_slice %arg4[%add3A_596, %dma_wait3A_695] : memref<1000x4096xf32, #tpu.memory_space<hbm>> -> memref<8x4096xf32, #tpu.memory_space<hbm>>
    %dma_wait3A_697 = arith.constant 0 : i32
    %dma_wait3A_698 = arith.constant 0 : i32
    %dma_wait3A_699 = tpu.memref_slice %arg7[%dma_wait3A_688, %dma_wait3A_697, %dma_wait3A_698] : memref<3x8x4096xf32, #tpu.memory_space<vmem>> -> memref<1x8x4096xf32, #tpu.memory_space<vmem>>
    %dma_wait3A_700 = tpu.memref_squeeze %dma_wait3A_699 : memref<1x8x4096xf32, #tpu.memory_space<vmem>> -> memref<8x4096xf32, #tpu.memory_space<vmem>>
    tpu.wait_dma2 semaphore(%arg10 : memref<!tpu.dma_semaphore, #tpu.memory_space<semaphore_mem>>) src(%dma_wait3A_700 : memref<8x4096xf32, #tpu.memory_space<vmem>>) dst(%dma_wait3A_696 : memref<8x4096xf32, #tpu.memory_space<hbm>>)
    %dma_wait3A_701 = arith.constant 0 : i32
    %dma_wait3A_702 = arith.constant 0 : i32
    %dma_wait3A_703 = arith.constant 0 : i32
    %dma_wait3A_704 = tpu.memref_slice %arg7[%dma_wait3A_701, %dma_wait3A_702, %dma_wait3A_703] : memref<3x8x4096xf32, #tpu.memory_space<vmem>> -> memref<1x8x4096xf32, #tpu.memory_space<vmem>>
    %dma_wait3A_705 = tpu.memref_squeeze %dma_wait3A_704 : memref<1x8x4096xf32, #tpu.memory_space<vmem>> -> memref<8x4096xf32, #tpu.memory_space<vmem>>
    %dma_wait3A_706 = arith.constant 0 : i32
    %dma_wait3A_707 = tpu.memref_slice %arg4[%add3A_661, %dma_wait3A_706] : memref<1000x4096xf32, #tpu.memory_space<hbm>> -> memref<8x4096xf32, #tpu.memory_space<hbm>>
    %dma_wait3A_708 = arith.constant 0 : i32
    %dma_wait3A_709 = tpu.memref_slice %arg4[%add3A_661, %dma_wait3A_708] : memref<1000x4096xf32, #tpu.memory_space<hbm>> -> memref<8x4096xf32, #tpu.memory_space<hbm>>
    %dma_wait3A_710 = arith.constant 0 : i32
    %dma_wait3A_711 = arith.constant 0 : i32
    %dma_wait3A_712 = tpu.memref_slice %arg7[%dma_wait3A_701, %dma_wait3A_710, %dma_wait3A_711] : memref<3x8x4096xf32, #tpu.memory_space<vmem>> -> memref<1x8x4096xf32, #tpu.memory_space<vmem>>
    %dma_wait3A_713 = tpu.memref_squeeze %dma_wait3A_712 : memref<1x8x4096xf32, #tpu.memory_space<vmem>> -> memref<8x4096xf32, #tpu.memory_space<vmem>>
    tpu.wait_dma2 semaphore(%arg11 : memref<!tpu.dma_semaphore, #tpu.memory_space<semaphore_mem>>) src(%dma_wait3A_713 : memref<8x4096xf32, #tpu.memory_space<vmem>>) dst(%dma_wait3A_709 : memref<8x4096xf32, #tpu.memory_space<hbm>>)
    return
  }
}

</mosaic_0001>

<sc_bundles>
// kernel: kernel.3.cloned.1.call-start
scs
__scs_entry_jumppad:
0x0: {  	(pc) =	sbr.rel $0x88, $3  }
0x1: {  	(tag) =	ssettag $0x0;
	lr =	simm.s32 $0x1  }
0x2: {  	[smem:$0x3F9F] =	sst lr;
	_ =	strace $0xD0000000  }
0x3: {  	_ = 	snop  }
0x4: {  	_ = 	snop  }
0x5: {  	_ = 	snop  }
0x6: {  	_ = 	snop  }
0x7: {  	_ = 	snop  }
__scs_overlays_trampoline_lowered:
0x8: {  	[smem:$0x3FAE] =	sst s0  }
0x9: {  	[smem:$0x3FAF] =	sst s1  }
0xa: {  	[smem:$0x3FB0] =	sst s2  }
0xb: {  	[smem:$0x3FB1] =	sst s3  }
0xc: {  	[smem:$0x3FB2] =	sst s4  }
0xd: {  	[smem:$0x3FB3] =	sst s5  }
0xe: {  	[smem:$0x3FB4] =	sst s6  }
0xf: {  	[smem:$0x3FB5] =	sst s7  }
0x10: {  	[smem:$0x3FB6] =	sst s8  }
0x11: {  	[smem:$0x3FB7] =	sst s9;
	s0 =	simm.s32 @!p0 $0x0  }
0x12: {  	s1 =	sld [smem:$0x3F9D];
	s0 =	simm.s32 @p0 $0x1  }
0x13: {  	[smem:$0x3FB8] =	sst s0;
	s0 =	simm.s32 @!p1 $0x0  }
0x14: {  	s2 =	sld [smem:$0x3F9C];
	s0 =	simm.s32 @p1 $0x1  }
0x15: {  	[smem:$0x3FB9] =	sst s0;
	s0 =	simm.s32 @!p2 $0x0  }
0x16: {  	s3 =	sld [smem:$0x3FDB];
	s0 =	simm.s32 @p2 $0x1  }
0x17: {  	s4 =	simm.s32 $0x1BF5;
	[smem:$0x3FBB] =	sst s0  }
0x18: {  	s0 =	sld [smem:$0x3F9E];
	_ =	swait.ge [sflag:s4], $0x0  }
0x19: {  	s7 =	sld [smem:$0x3F9F]  }
0x1a: {  	s8 =	sadd.s32 $0xFFFFE003, lr  }
0x1b: {  	s9 =	sadd.s32 $0xFFFFFEF7, lr;
	s5 =	simm.s32 $0xFFFFFFFF;
	p2 =	slt.u32 s8, $0xFFFFF086  }
0x1c: {  	p1 =	slt.u32 s9, $0xF7A;
	s5 =	simm.s32 @!p2 $0x0  }
0x1d: {  	s5 =	simm.s32 @p1 $0x1;
	p0 =	seq.s32 s7, s2  }
0x1e: {  	s7 =	smul.u32 @!p0 $0xF7A, s2;
	p2 =	seq.s32 @!p0 s5, $0x0  }
0x1f: {  	s9 =	smul.u32 $0xF7A, s1;
	s8 =	simm.s32 @!p0 $0x1BF5;
	p2 =	por !p2, p0  }
0x20: {  	[sflag:s8] =	ssyncset.s32 @!p0 $0xFFFFF086;
	s6 =	sadd.s32 @!p0 s3, s7;
	s7 =	simm.s32 @!p0 $0x108  }
0x21: {  	s3 =	sadd.s32 s3, s9;
	s6 =	sadd.s32 @!p0 $0x88, s6;
	s7 =	simm.s32 @p2 $0x1082  }
0x22: {  	[simem:s7], [sflag:s8] =	dma.local @!p0 [hbm:s6], $0xF7A  }
0x23: {  	s9 =	sor.u32 $0xD0000000, s2;
	s6 =	simm.s32 $0x108;
	_ =	swait.ge @!p0 [sflag:s8], $0x0  }
0x24: {  	s3 =	sadd.s32 $0x88, s3;
	s6 =	simm.s32 @!p1 $0x1082;
	[sflag:s4] =	ssyncset.s32 $0xFFFFF086  }
0x25: {  	[simem:s6], [sflag:s4] =	dma.local [hbm:s3], $0xF7A  }
0x26: {  	[smem:$0x3F9F] =	sst s1;
	(tag) =	ssettag s2;
	_ =	strace s9  }
0x27: {  	s1 =	sld [smem:$0x3FAF]  }
0x28: {  	s2 =	sld [smem:$0x3FB0]  }
0x29: {  	s4 =	sld [smem:$0x3FB2]  }
0x2a: {  	p0 =	seq.s32 s5, $0x0;
	s5 =	sld [smem:$0x3FB3]  }
0x2b: {  	s6 =	sld [smem:$0x3FB4]  }
0x2c: {  	s7 =	sld [smem:$0x3FB5]  }
0x2d: {  	s3 =	simm.s32 $0x108;
	s8 =	sld [smem:$0x3FB6]  }
0x2e: {  	s3 =	simm.s32 @!p0 $0x1082;
	s9 =	sld [smem:$0x3FB7]  }
0x2f: {  	lr =	sadd.s32 s0, s3;
	s0 =	sld [smem:$0x3FAE]  }
0x30: {  	s3 =	sld [smem:$0x3FB1]  }
0x31: {  	[smem:$0x3FBA] =	sst s10  }
0x32: {  	s10 =	sld [smem:$0x3FB8];
	_ =	sdelay $0x3  }
0x33: {  	p0 =	seq.s32 s10, $0x1;
	s10 =	sld [smem:$0x3FBA];
	_ =	sdelay $0x3  }
0x34: {  	[smem:$0x3FBA] =	sst s10  }
0x35: {  	s10 =	sld [smem:$0x3FB9];
	_ =	sdelay $0x3  }
0x36: {  	p1 =	seq.s32 s10, $0x1;
	s10 =	sld [smem:$0x3FBA];
	_ =	sdelay $0x3  }
0x37: {  	[smem:$0x3FBA] =	sst s10  }
0x38: {  	s10 =	sld [smem:$0x3FBB]  }
0x39: {  	_ = 	snop;
	(pc) =	sbr.ind lr, $3  }
0x3a: {  	_ = 	snop  }
0x3b: {  	_ = 	snop  }
0x3c: {  	p2 =	seq.s32 s10, $0x1;
	s10 =	sld [smem:$0x3FBA]  }
0x3d: {  	_ =	shalt  }
0x3e: {  	_ =	shalt  }
0x3f: {  	_ =	shalt  }
0x40: {  	_ =	shalt  }
0x41: {  	_ =	shalt  }
0x42: {  	_ =	shalt  }
0x43: {  	_ =	shalt  }
0x44: {  	_ =	shalt  }
0x45: {  	_ =	shalt  }
0x46: {  	_ =	shalt  }
0x47: {  	_ =	shalt  }
0x48: {  	_ =	shalt  }
0x49: {  	_ =	shalt  }
0x4a: {  	_ =	shalt  }
0x4b: {  	_ =	shalt  }
0x4c: {  	_ =	shalt  }
0x4d: {  	_ =	shalt  }
0x4e: {  	_ =	shalt  }
0x4f: {  	_ =	shalt  }
0x50: {  	_ =	shalt  }
0x51: {  	_ =	shalt  }
0x52: {  	_ =	shalt  }
0x53: {  	_ =	shalt  }
0x54: {  	_ =	shalt  }
0x55: {  	_ =	shalt  }
0x56: {  	_ =	shalt  }
0x57: {  	_ =	shalt  }
0x58: {  	_ =	shalt  }
0x59: {  	_ =	shalt  }
0x5a: {  	_ =	shalt  }
0x5b: {  	_ =	shalt  }
0x5c: {  	_ =	shalt  }
0x5d: {  	_ =	shalt  }
0x5e: {  	_ =	shalt  }
0x5f: {  	_ =	shalt  }
0x60: {  	_ =	shalt  }
0x61: {  	_ =	shalt  }
0x62: {  	_ =	shalt  }
0x63: {  	_ =	shalt  }
0x64: {  	_ =	shalt  }
0x65: {  	_ =	shalt  }
0x66: {  	_ =	shalt  }
0x67: {  	_ =	shalt  }
0x68: {  	_ =	shalt  }
0x69: {  	_ =	shalt  }
0x6a: {  	_ =	shalt  }
0x6b: {  	_ =	shalt  }
0x6c: {  	_ =	shalt  }
0x6d: {  	_ =	shalt  }
0x6e: {  	_ =	shalt  }
0x6f: {  	_ =	shalt  }
0x70: {  	_ =	shalt  }
0x71: {  	_ =	shalt  }
0x72: {  	_ =	shalt  }
0x73: {  	_ =	shalt  }
0x74: {  	_ =	shalt  }
0x75: {  	_ =	shalt  }
0x76: {  	_ =	shalt  }
0x77: {  	_ =	shalt  }
0x78: {  	_ =	shalt  }
0x79: {  	_ =	shalt  }
0x7a: {  	_ =	shalt  }
0x7b: {  	_ =	shalt  }
0x7c: {  	_ =	shalt  }
0x7d: {  	_ =	shalt  }
0x7e: {  	_ =	shalt  }
0x7f: {  	_ =	shalt  }
0x80: {  	_ =	shalt  }
0x81: {  	_ =	shalt  }
0x82: {  	_ =	shalt  }
0x83: {  	_ =	shalt  }
0x84: {  	_ =	shalt  }
0x85: {  	_ =	shalt  }
0x86: {  	_ =	shalt  }
0x87: {  	_ =	shalt  }
.Lfunc_end0:
.L_simem_size_0:
called_computation_lowered:
.L_overlay_start_0:
0x88: {  	s2 =	sld [smem:$0x3FD9]  }
0x89: {  	s3 =	sld [smem:$0x3FFE];
	_ =	sdelay $0x1  }
0x8a: {  	s1 =	srdreg.scid  }
0x8b: {  	s0 =	sand.u32 $0x1, s1  }
0x8c: {  	s18 =	sshll.u32 s0, $0xA;
	s2 =	sadd.s32 s3, s2  }
0x8d: {  	s2 =	sadd.s32 s2, s18  }
0x8e: {  	[smem:$0x3FC6] =	sst s2  }
0x8f: {  	_ = 	snop  }
0x90: {  	s2 =	sld [smem:$0x3FC9]  }
0x91: {  	s19 =	sld [smem:$0x3FC8]  }
0x92: {  	s4 =	sld [smem:$0x3FD0];
	(tm) =	ssettm $0x1  }
0x93: {  	s5 =	sld [smem:$0x3FFB];
	_ =	sdelay $0x3  }
0x94: {  	_ =	strace s5  }
0x95: {  	s5 =	sld [smem:$0x3FFC];
	_ =	sdelay $0x3  }
0x96: {  	_ =	strace s5  }
0x97: {  	s5 =	sld [smem:$0x3FFD];
	_ =	sdelay $0x3  }
0x98: {  	_ =	strace s5  }
0x99: {  	_ =	strace $0x8FFFFFFF  }
0x9a: {  	s20 =	sld [smem:$0x3FDB];
	_ =	sdelay $0x1  }
0x9b: {  	s6 =	simm.s32 $_scs_section_size  }
0x9c: {  	s7 =	simm.s32 $_size__tile_overlayer_lowered;
	s8 =	simm.s32 $_tile_overlayer_lowered  }
0x9d: {  	s23 =	simm.s32 $0x1BFF;
	s22 =	sshll.u32 s8, $0x1;
	s5 =	sadd.s32 s6, s20  }
0x9e: {  	s9 =	simm.s32 $0x0;
	s21 =	sshll.u32 s7, $0x1;
	s7 =	sadd.s32 s22, s5  }
0x9f: {  	[timem:s9], [sflag:s23] =	dma.local [hbm:s7], s21  }
0xa0: {  	_ =	swait.ge [sflag:s23], s21  }
0xa1: {  	s6 =	ssub.s32 $0x0, s21;
	[sflag:s23] =	ssyncset.done $0x0  }
0xa2: {  	[sflag:s23] =	ssyncadd.s32 s6;
	_ =	sdelay $0x1  }
0xa3: {  	s24 =	simm.s32 $0x1B8B  }
0xa4: {  	_ =	swait.ge [sflag:s24], $0x1  }
0xa5: {  	[sflag:s24] =	ssyncset.done $0x0  }
0xa6: {  	s25 =	simm.s32 $0x1B8E;
	[sflag:s24] =	ssyncadd.s32 $0xFFFFFFFF  }
0xa7: {  	s26 =	simm.s32 $execute0_lowered;
	[smem:$0x3FD2] =	sst s25  }
0xa8: {  	s6 =	sshll.u32 s26, $0x1;
	_ =	strace $0x80000046;
	[dreg:$0x1] =	wrdreg $0xFFFFFFFF  }
0xa9: {  	s28 =	simm.s32 $_size_execute0_lowered;
	s5 =	sadd.s32 s5, s6;
	[dreg:$0x0] =	wrdreg $0x0  }
0xaa: {  	s6 =	sshll.u32 s28, $0x1;
	[dreg:$0x2] =	wrdreg s5  }
0xab: {  	[dreg:$0x3] =	wrdreg s6  }
0xac: {  	[dreg:$0x4] =	wrdreg $0xC0  }
0xad: {  	_ =	task [dreg:s9], $0x5FFFF  }
0xae: {  	[dreg:$0x1] =	wrdreg $0xFFFFFFFF  }
0xaf: {  	[dreg:$0x0] =	wrdreg $0x60  }
0xb0: {  	[dreg:$0x2] =	wrdreg s2  }
0xb1: {  	[dreg:$0x3] =	wrdreg s19  }
0xb2: {  	[dreg:$0x4] =	wrdreg s4  }
0xb3: {  	[dreg:$0x5] =	wrdreg $0x9  }
0xb4: {  	_ =	task.clear_ibuf [dreg:s9], $0x6FFFF;
	_ =	strace $0x90000046  }
0xb5: {  	s29 =	simm.s32 $0x9;
	_ =	strace $0x80000048  }
0xb6: {  	_ =	swait.ge [sflag:s29], $0x1  }
0xb7: {  	[sflag:s29] =	ssyncadd.s32 $0xFFFFFFFF  }
0xb8: {  	_ =	strace $0x90000048  }
0xb9: {  	_ =	sfence  }
0xba: {  	s30 =	sld [smem:$0x0];
	_ =	sdelay $0x2  }
0xbb: {  	s31 =	sshll.u32 s1, $0xD;
	s1 =	sshrl.u32 s1, $0x2  }
0xbc: {  	s3 =	sand.u32 $0x4000, s31;
	s1 =	sadd.s32 s1, s30  }
0xbd: {  	s0 =	sor.u32 s3, s0;
	s1 =	sshll.u32 s1, $0x11  }
0xbe: {  	s0 =	sor.u32 s1, s0  }
0xbf: {  	s0 =	sadd.s32 $0x8F2B, s0  }
0xc0: {  	[sflag:s0] =	ssyncadd.remote.s32 $0x1  }
0xc1: {  	_ =	sfence.sel $0xFFFF  }
0xc2: {  	[dreg:$0x0] =	wrdreg $0xFFFFFFFF;
	(pc) =	sbr.abs _section_cstart, $3  }
0xc3: {  	[dreg:$0x1] =	wrdreg $0xFFFFFFFF  }
0xc4: {  	_ =	task.clear_ibuf [dreg:s9], $0x2FFFF;
	_ =	strace $0x9FFFFFFF  }
0xc5: {  	(tm) =	ssettm $0x7FFFFFFF  }
tec
execute0_lowered:
.L_overlay_start_1:
0x0: {  	(tag) =	ssettag $0x1  }
0x1: {  	s14 =	rddreg [dreg:$0x0];
	s0 =	srdreg.scid  }
0x2: {  	s1 =	rddreg [dreg:$0x1];
	s3 =	stileid.u32  }
0x3: {  	s2 =	rddreg [dreg:$0x2];
	s7 =	simm.s32 $0x1900;
	s8 =	simm.s32 $0x2100  }
0x4: {  	s28 =	simm.s32 $0x4100;
	s0 =	sand.u32 $0x1, s0;
	s4 =	sshll.u32 s3, $0x6  }
0x5: {  	s3 =	simm.s32 $0x0;
	s16 =	sadd.s32 $0x100, s14;
	s17 =	sadd.s32 $0x200, s14  }
0x6: {  	s18 =	sadd.s32 $0x300, s14;
	s20 =	sadd.s32 $0x400, s14;
	s23 =	sadd.s32 $0x500, s14  }
0x7: {  	s29 =	sadd.s32 $0x600, s14;
	s24 =	sadd.s32 $0x700, s14;
	s31 =	sadd.s32 $0x800, s14  }
0x8: {  	v0 =	vlaneseq.u32;
	vm0 =	vmmov $0xffff;
	s30 =	sadd.s32 $0x900, s14;
	s11 =	sadd.s32 $0xA00, s14;
	s13 =	sadd.s32 $0xB00, s14  }
0x9: {  	v2 =	vimm.s32 $0x8;
	v3 =	vimm.s32 $0x9;
	v4 =	vimm.s32 $0xA;
	s12 =	sadd.s32 $0xC00, s14;
	s25 =	sadd.s32 $0xD00, s14;
	s21 =	sadd.s32 $0xE00, s14  }
0xa: {  	v5 =	vimm.s32 $0xB;
	v6 =	vimm.s32 $0xC;
	v7 =	vimm.s32 $0xD;
	s19 =	sadd.s32 $0xF00, s14;
	s5 =	sshll.u32 s0, $0x5;
	[smem:$0x7FF] =	sst s3  }
0xb: {  	v8 =	vimm.s32 $0xE;
	v9 =	vimm.s32 $0xF;
	v10 =	vimm.s32 $0x10;
	s0 =	ssub.s32 $0x2, s0;
	s4 =	sor.u32 s5, s4;
	_ =	strace $0x80000047  }
0xc: {  	v11 =	vimm.s32 $0x11;
	v12 =	vimm.s32 $0x12;
	v13 =	vimm.s32 $0x13;
	s9 =	sshrl.u32 s0, $0x1;
	[dreg:$0x7] =	wrdreg s19;
	s5 =	simm.s32 $0x900  }
0xd: {  	v14 =	vimm.s32 $0x14;
	v15 =	vimm.s32 $0x15;
	v16 =	vimm.s32 $0x16;
	s19 =	simm.s32 $0x3100;
	[dreg:$0x4] =	wrdreg s13;
	s4 =	smin.u32 s4, $0x3C8  }
0xe: {  	v17 =	vimm.s32 $0x17;
	v18 =	vimm.s32 $0x18;
	v19 =	vimm.s32 $0x19;
	[dreg:$0x5] =	wrdreg s12;
	s0 =	ssub.s32 s0, s9;
	s6 =	sshrl.u32 s4, $0x3  }
0xf: {  	v20 =	vimm.s32 $0x1A;
	v21 =	vimm.s32 $0x1B;
	v22 =	vimm.s32 $0x1C;
	s10 =	sshll.u32 s4, $0x9;
	s0 =	smax.u32 s0, $0x1;
	s15 =	sadd.s32 s1, s6  }
.Ltmp0:
0x10: {  	v23 =	vimm.s32 $0x1D;
	v24 =	vimm.s32 $0x1E;
	v25 =	vimm.s32 $0x1F;
	s1 =	sadd.s32 s2, s10;
	[dreg:$0xb] =	wrdreg s0;
	(pc) =	sbr.rel .LBB2_1-.Ltmp0, $4  }
0x11: {  	v26 =	vimm.s32 $0x20;
	v27 =	vimm.s32 $0x21;
	v28 =	vimm.s32 $0x22;
	s9 =	simm.s32 $0x2900;
	s22 =	sadd.s32 $0x1000, s1;
	[dreg:$0x6] =	wrdreg s1  }
0x12: {  	v29 =	vimm.s32 $0x23;
	v30 =	vimm.s32 $0x24;
	v31 =	vimm.s32 $0x25;
	s10 =	simm.s32 $0x100;
	s26 =	sadd.s32 $0x2000, s1;
	[dreg:$0x8] =	wrdreg s22  }
0x13: {  	v32 =	vimm.s32 $0x26;
	v33 =	vimm.s32 $0x27;
	v1 =	vshrl.u32 v0, $0x3;
	s6 =	simm.s32 $0x1100;
	s1 =	sadd.s32 $0x3000, s1;
	[dreg:$0x9] =	wrdreg s26  }
0x14: {  	v34 =	vimm.f32 $0.0e+00;
	v0 =	vand.u32 $0x7, v0;
	v1 =	vmul.u32 $0x8, v1;
	[dreg:$0xa] =	wrdreg s1;
	s26 =	simm.s32 $0x3900;
	s22 =	simm.s32 $0x0  }
.LBB2_100:
0x15: {  	s0 =	rddreg [dreg:$0xa];
	s1 =	simm.s32 $0x4  }
0x16: {  	[hbm4b:s0+s3] =	stream.linear.scatter [tilespmem:s10], [sflag:$0x4], $0x8000, $0x38;
	[tilespmem:$0x18100] =	vst v63  }
0x17: {  	_ =	swait.ge [sflag:s1], $0x8000  }
0x18: {  	[sflag:s1] =	ssyncset.done $0x0  }
0x19: {  	s2 =	simm.s32 $0x3;
	[sflag:s1] =	ssyncadd.s32 $0xFFFF8000  }
0x1a: {  	_ =	swait.ge [sflag:s2], $0x8000  }
0x1b: {  	[sflag:s2] =	ssyncset.done $0x0  }
0x1c: {  	[sflag:s2] =	ssyncadd.s32 $0xFFFF8000  }
0x1d: {  	_ =	swait.ge [sflag:s1], $0x8000  }
0x1e: {  	s22 =	sadd.s32 $0x1, s22;
	s4 =	rddreg [dreg:$0xb]  }
0x1f: {  	p0 =	sne.s32 s22, s4  }
.Ltmp1:
0x20: {  	_ = 	snop;
	(pc) =	sbr.rel @!p0 .LBB2_101-.Ltmp1, $3  }
0x21: {  	_ =	sdelay $0x1  }
0x22: {  	[sflag:s1] =	ssyncset.done $0x0  }
0x23: {  	[sflag:s1] =	ssyncadd.s32 $0xFFFF8000  }
.LBB2_1:
0x24: {  	s0 =	simm.s32 $0x8;
	s4 =	simm.s32 $0x5  }
0x25: {  	[tilespmem:s0], [sflag:$0x5] =	stream.linear.gather [hbm4b:s15+s3], $0x20, $0x38;
	[tilespmem:$0x18100] =	vst v63  }
0x26: {  	_ =	swait.ge [sflag:s4], $0x20  }
0x27: {  	[sflag:s4] =	ssyncset.done $0x0  }
0x28: {  	[sflag:s4] =	ssyncadd.s32 $0xFFFFFFE0  }
0x29: {  	v35 =	vld [tilespmem:$0x8];
	_ =	sdelay $0x4  }
0x2a: {  	vm1 =	vlt.s32 v35, $0x3E7  }
0x2b: {  	v35 =	vnsel vm1, $0x3E7, v35  }
0x2c: {  	[tilespmem:$0x80] =	vst v35  }
0x2d: {  	v35 =	vld.msk [tilespmem:$0x80], $0xff;
	_ =	sdelay $0x4  }
0x2e: {  	v36 =	vshll.u32 v35, $0x5  }
0x2f: {  	v35 =	vand.u32 $0x7, v35;
	v36 =	vand.u32 $0xFFFFFF00, v36  }
0x30: {  	v37 =	vld [tilespmem:$0x18];
	v35 =	vor.u32 v35, v36  }
0x31: {  	v35 =	vperm.xlane v35, v0;
	_ =	sdelay $0x1  }
0x32: {  	v35 =	vadd.s32 v1, v35;
	_ =	sdelay $0x1  }
0x33: {  	vm1 =	vlt.s32 v37, $0x3E7  }
0x34: {  	v52 =	vnsel vm1, $0x3E7, v37  }
0x35: {  	[tilespmem:$0x90] =	vst v52  }
0x36: {  	[tilespmem:s10], [sflag:$0x1] =	stream.indirect_vreg.gather [hbm4b:s14+s3], $0x80, v35, vm0, $0xb8;
	[tilespmem:$0x18100] =	vst v63  }
0x37: {  	_ = 	snop  }
0x38: {  	[tilespmem:s5], [sflag:$0x1] =	stream.indirect_vreg.gather [hbm4b:s16+s3], $0x80, v35, vm0, $0xb8;
	[tilespmem:$0x18100] =	vst v63  }
0x39: {  	_ = 	snop  }
0x3a: {  	[tilespmem:s6], [sflag:$0x1] =	stream.indirect_vreg.gather [hbm4b:s17+s3], $0x80, v35, vm0, $0xb8;
	[tilespmem:$0x18100] =	vst v63  }
0x3b: {  	_ = 	snop  }
0x3c: {  	[tilespmem:s7], [sflag:$0x1] =	stream.indirect_vreg.gather [hbm4b:s18+s3], $0x80, v35, vm0, $0xb8;
	[tilespmem:$0x18100] =	vst v63  }
0x3d: {  	_ = 	snop  }
0x3e: {  	[tilespmem:s8], [sflag:$0x1] =	stream.indirect_vreg.gather [hbm4b:s20+s3], $0x80, v35, vm0, $0xb8;
	[tilespmem:$0x18100] =	vst v63  }
0x3f: {  	_ = 	snop  }
0x40: {  	[tilespmem:s9], [sflag:$0x1] =	stream.indirect_vreg.gather [hbm4b:s23+s3], $0x80, v35, vm0, $0xb8;
	[tilespmem:$0x18100] =	vst v63  }
0x41: {  	_ = 	snop  }
0x42: {  	[tilespmem:s19], [sflag:$0x1] =	stream.indirect_vreg.gather [hbm4b:s29+s3], $0x80, v35, vm0, $0xb8;
	[tilespmem:$0x18100] =	vst v63  }
0x43: {  	_ = 	snop  }
0x44: {  	[tilespmem:s26], [sflag:$0x1] =	stream.indirect_vreg.gather [hbm4b:s24+s3], $0x80, v35, vm0, $0xb8;
	[tilespmem:$0x18100] =	vst v63  }
0x45: {  	_ = 	snop  }
0x46: {  	[tilespmem:s28], [sflag:$0x1] =	stream.indirect_vreg.gather [hbm4b:s31+s3], $0x80, v35, vm0, $0xb8;
	[tilespmem:$0x18100] =	vst v63  }
0x47: {  	s26 =	simm.s32 $0x4900  }
0x48: {  	[tilespmem:s26], [sflag:$0x1] =	stream.indirect_vreg.gather [hbm4b:s30+s3], $0x80, v35, vm0, $0xb8;
	[tilespmem:$0x18100] =	vst v63  }
0x49: {  	s1 =	simm.s32 $0x5100  }
0x4a: {  	[tilespmem:s1], [sflag:$0x1] =	stream.indirect_vreg.gather [hbm4b:s11+s3], $0x80, v35, vm0, $0xb8;
	[tilespmem:$0x18100] =	vst v63  }
0x4b: {  	s2 =	simm.s32 $0x5900  }
0x4c: {  	[tilespmem:s2], [sflag:$0x1] =	stream.indirect_vreg.gather [hbm4b:s13+s3], $0x80, v35, vm0, $0xb8;
	[tilespmem:$0x18100] =	vst v63  }
0x4d: {  	s4 =	simm.s32 $0x6100  }
0x4e: {  	[tilespmem:s4], [sflag:$0x1] =	stream.indirect_vreg.gather [hbm4b:s12+s3], $0x80, v35, vm0, $0xb8;
	[tilespmem:$0x18100] =	vst v63  }
0x4f: {  	s5 =	simm.s32 $0x6900  }
0x50: {  	[tilespmem:s5], [sflag:$0x1] =	stream.indirect_vreg.gather [hbm4b:s25+s3], $0x80, v35, vm0, $0xb8;
	[tilespmem:$0x18100] =	vst v63  }
0x51: {  	s6 =	simm.s32 $0x7100  }
0x52: {  	[tilespmem:s6], [sflag:$0x1] =	stream.indirect_vreg.gather [hbm4b:s21+s3], $0x80, v35, vm0, $0xb8;
	[tilespmem:$0x18100] =	vst v63  }
0x53: {  	s7 =	simm.s32 $0x7900;
	s4 =	rddreg [dreg:$0x7]  }
0x54: {  	[tilespmem:s7], [sflag:$0x1] =	stream.indirect_vreg.gather [hbm4b:s4+s3], $0x80, v35, vm0, $0xb8;
	[tilespmem:$0x18100] =	vst v63  }
0x55: {  	v35 =	vld.msk [tilespmem:$0x88], $0xff;
	_ =	sdelay $0x4  }
0x56: {  	v53 =	vshll.u32 v35, $0x5  }
0x57: {  	v35 =	vand.u32 $0x7, v35;
	v36 =	vand.u32 $0xFFFFFF00, v53  }
0x58: {  	v35 =	vor.u32 v35, v36  }
0x59: {  	v35 =	vperm.xlane v35, v0;
	_ =	sdelay $0x1  }
0x5a: {  	v35 =	vadd.s32 v1, v35;
	_ =	sdelay $0x3  }
0x5b: {  	s8 =	simm.s32 $0x8100  }
0x5c: {  	[tilespmem:s8], [sflag:$0x2] =	stream.indirect_vreg.gather [hbm4b:s14+s3], $0x80, v35, vm0, $0xb8;
	[tilespmem:$0x18100] =	vst v63  }
0x5d: {  	s9 =	simm.s32 $0x8900  }
0x5e: {  	[tilespmem:s9], [sflag:$0x2] =	stream.indirect_vreg.gather [hbm4b:s16+s3], $0x80, v35, vm0, $0xb8;
	[tilespmem:$0x18100] =	vst v63  }
0x5f: {  	s10 =	simm.s32 $0x9100  }
0x60: {  	[tilespmem:s10], [sflag:$0x2] =	stream.indirect_vreg.gather [hbm4b:s17+s3], $0x80, v35, vm0, $0xb8;
	[tilespmem:$0x18100] =	vst v63  }
0x61: {  	s19 =	simm.s32 $0x9900  }
0x62: {  	[tilespmem:s19], [sflag:$0x2] =	stream.indirect_vreg.gather [hbm4b:s18+s3], $0x80, v35, vm0, $0xb8;
	[tilespmem:$0x18100] =	vst v63  }
0x63: {  	s26 =	simm.s32 $0xA100  }
0x64: {  	[tilespmem:s26], [sflag:$0x2] =	stream.indirect_vreg.gather [hbm4b:s20+s3], $0x80, v35, vm0, $0xb8;
	[tilespmem:$0x18100] =	vst v63  }
0x65: {  	s1 =	simm.s32 $0xA900  }
0x66: {  	[tilespmem:s1], [sflag:$0x2] =	stream.indirect_vreg.gather [hbm4b:s23+s3], $0x80, v35, vm0, $0xb8;
	[tilespmem:$0x18100] =	vst v63  }
0x67: {  	s2 =	simm.s32 $0xB100  }
0x68: {  	[tilespmem:s2], [sflag:$0x2] =	stream.indirect_vreg.gather [hbm4b:s29+s3], $0x80, v35, vm0, $0xb8;
	[tilespmem:$0x18100] =	vst v63  }
0x69: {  	s5 =	simm.s32 $0xB900  }
0x6a: {  	[tilespmem:s5], [sflag:$0x2] =	stream.indirect_vreg.gather [hbm4b:s24+s3], $0x80, v35, vm0, $0xb8;
	[tilespmem:$0x18100] =	vst v63  }
0x6b: {  	s6 =	simm.s32 $0xC100  }
0x6c: {  	[tilespmem:s6], [sflag:$0x2] =	stream.indirect_vreg.gather [hbm4b:s31+s3], $0x80, v35, vm0, $0xb8;
	[tilespmem:$0x18100] =	vst v63  }
0x6d: {  	s7 =	simm.s32 $0xC900  }
0x6e: {  	[tilespmem:s7], [sflag:$0x2] =	stream.indirect_vreg.gather [hbm4b:s30+s3], $0x80, v35, vm0, $0xb8;
	[tilespmem:$0x18100] =	vst v63  }
0x6f: {  	s8 =	simm.s32 $0xD100  }
0x70: {  	[tilespmem:s8], [sflag:$0x2] =	stream.indirect_vreg.gather [hbm4b:s11+s3], $0x80, v35, vm0, $0xb8;
	[tilespmem:$0x18100] =	vst v63  }
0x71: {  	s9 =	simm.s32 $0xD900  }
0x72: {  	[tilespmem:s9], [sflag:$0x2] =	stream.indirect_vreg.gather [hbm4b:s13+s3], $0x80, v35, vm0, $0xb8;
	[tilespmem:$0x18100] =	vst v63  }
0x73: {  	s10 =	simm.s32 $0xE100  }
0x74: {  	[tilespmem:s10], [sflag:$0x2] =	stream.indirect_vreg.gather [hbm4b:s12+s3], $0x80, v35, vm0, $0xb8;
	[tilespmem:$0x18100] =	vst v63  }
0x75: {  	s2 =	smov.u32 s11;
	s11 =	simm.s32 $0xE900  }
0x76: {  	[tilespmem:s11], [sflag:$0x2] =	stream.indirect_vreg.gather [hbm4b:s25+s3], $0x80, v35, vm0, $0xb8;
	[tilespmem:$0x18100] =	vst v63  }
0x77: {  	s19 =	simm.s32 $0xF100  }
0x78: {  	[tilespmem:s19], [sflag:$0x2] =	stream.indirect_vreg.gather [hbm4b:s21+s3], $0x80, v35, vm0, $0xb8;
	[tilespmem:$0x18100] =	vst v63  }
0x79: {  	s26 =	simm.s32 $0xF900  }
0x7a: {  	[tilespmem:s26], [sflag:$0x2] =	stream.indirect_vreg.gather [hbm4b:s4+s3], $0x80, v35, vm0, $0xb8;
	[tilespmem:$0x18100] =	vst v63  }
0x7b: {  	v35 =	vld.idx.msk [tilespmem:v2+s3+$0x0], $0xffff  }
0x7c: {  	v54 =	vld.idx.msk [tilespmem:v3+s3+$0x0], $0xffff  }
0x7d: {  	v55 =	vld.idx.msk [tilespmem:v4+s3+$0x0], $0xffff  }
0x7e: {  	v38 =	vld.idx.msk [tilespmem:v5+s3+$0x0], $0xffff  }
0x7f: {  	v39 =	vld.idx.msk [tilespmem:v6+s3+$0x0], $0xffff  }
0x80: {  	v40 =	vld.idx.msk [tilespmem:v7+s3+$0x0], $0xffff;
	v35 =	vxor.u32 $0x80000000, v35  }
0x81: {  	v57 =	vld.idx.msk [tilespmem:v8+s3+$0x0], $0xffff;
	v56 =	vxor.u32 $0x80000000, v54;
	(xrf0) =	vmax.scan.msk.u32 $0xffff, v35  }
0x82: {  	v59 =	vld.idx.msk [tilespmem:v9+s3+$0x0], $0xffff;
	v58 =	vxor.u32 $0x80000000, v55;
	(xrf0) =	vmax.scan.msk.u32 $0xffff, v56  }
0x83: {  	v61 =	vld.idx.msk [tilespmem:v10+s3+$0x0], $0xffff;
	v60 =	vxor.u32 $0x80000000, v38;
	(xrf0) =	vmax.scan.msk.u32 $0xffff, v58  }
0x84: {  	v63 =	vld.idx.msk [tilespmem:v11+s3+$0x0], $0xffff;
	v62 =	vxor.u32 $0x80000000, v39;
	(xrf0) =	vmax.scan.msk.u32 $0xffff, v60  }
0x85: {  	v45 =	vld.idx.msk [tilespmem:v12+s3+$0x0], $0xffff;
	v44 =	vxor.u32 $0x80000000, v40;
	(xrf0) =	vmax.scan.msk.u32 $0xffff, v62  }
0x86: {  	v47 =	vld.idx.msk [tilespmem:v13+s3+$0x0], $0xffff;
	v46 =	vxor.u32 $0x80000000, v57;
	(xrf0) =	vmax.scan.msk.u32 $0xffff, v44  }
0x87: {  	v49 =	vld.idx.msk [tilespmem:v14+s3+$0x0], $0xffff;
	v48 =	vxor.u32 $0x80000000, v59;
	v41, _, _ =	vpop (xrf0);
	(xrf0) =	vmax.scan.msk.u32 $0xffff, v46  }
0x88: {  	v52 =	vld.idx.msk [tilespmem:v15+s3+$0x0], $0xffff;
	v51 =	vxor.u32 $0x80000000, v61;
	(v2sf) =	vpush v41, $0xF;
	v50, _, _ =	vpop (xrf0);
	(xrf0) =	vmax.scan.msk.u32 $0xffff, v48  }
0x89: {  	v54 =	vxor.u32 $0x80000000, v63;
	v55 =	vld.idx.msk [tilespmem:v16+s3+$0x0], $0xffff;
	(v2sf) =	vpush v50, $0xF;
	v53, _, _ =	vpop (xrf0);
	(xrf0) =	vmax.scan.msk.u32 $0xffff, v51  }
0x8a: {  	v57 =	vxor.u32 $0x80000000, v45;
	v58 =	vld.idx.msk [tilespmem:v17+s3+$0x0], $0xffff;
	(v2sf) =	vpush v53, $0xF;
	v56, _, _ =	vpop (xrf0);
	(xrf0) =	vmax.scan.msk.u32 $0xffff, v54  }
0x8b: {  	v61 =	vld.idx.msk [tilespmem:v18+s3+$0x0], $0xffff;
	v60 =	vxor.u32 $0x80000000, v47;
	(v2sf) =	vpush v56, $0xF;
	v59, _, _ =	vpop (xrf0);
	(xrf0) =	vmax.scan.msk.u32 $0xffff, v57  }
0x8c: {  	v63 =	vxor.u32 $0x80000000, v49;
	v44 =	vld.idx.msk [tilespmem:v19+s3+$0x0], $0xffff;
	(v2sf) =	vpush v59, $0xF;
	v62, _, _ =	vpop (xrf0);
	(xrf0) =	vmax.scan.msk.u32 $0xffff, v60  }
0x8d: {  	v47 =	vld.idx.msk [tilespmem:v20+s3+$0x0], $0xffff;
	v46 =	vxor.u32 $0x80000000, v52;
	(v2sf) =	vpush v62, $0xF;
	v45, _, _ =	vpop (xrf0);
	(xrf0) =	vmax.scan.msk.u32 $0xffff, v63  }
0x8e: {  	v49 =	vxor.u32 $0x80000000, v55;
	v50 =	vld.idx.msk [tilespmem:v21+s3+$0x0], $0xffff;
	(v2sf) =	vpush v45, $0xF;
	v48, _, _ =	vpop (xrf0);
	(xrf0) =	vmax.scan.msk.u32 $0xffff, v46  }
0x8f: {  	v52 =	vxor.u32 $0x80000000, v58;
	v53 =	vld.idx.msk [tilespmem:v22+s3+$0x0], $0xffff;
	(v2sf) =	vpush v48, $0xF;
	v51, _, _ =	vpop (xrf0);
	(xrf0) =	vmax.scan.msk.u32 $0xffff, v49  }
0x90: {  	v55 =	vxor.u32 $0x80000000, v61;
	v56 =	vld.idx.msk [tilespmem:v23+s3+$0x0], $0xffff;
	(v2sf) =	vpush v51, $0xF;
	v54, _, _ =	vpop (xrf0);
	(xrf0) =	vmax.scan.msk.u32 $0xffff, v52  }
0x91: {  	v58 =	vxor.u32 $0x80000000, v44;
	v59 =	vld.idx.msk [tilespmem:v24+s3+$0x0], $0xffff;
	(v2sf) =	vpush v54, $0xF;
	v57, _, _ =	vpop (xrf0);
	(xrf0) =	vmax.scan.msk.u32 $0xffff, v55  }
0x92: {  	v61 =	vxor.u32 $0x80000000, v47;
	v62 =	vld.idx.msk [tilespmem:v25+s3+$0x0], $0xffff;
	(v2sf) =	vpush v57, $0xF;
	v60, _, _ =	vpop (xrf0);
	(xrf0) =	vmax.scan.msk.u32 $0xffff, v58  }
0x93: {  	v44 =	vxor.u32 $0x80000000, v50;
	v45 =	vld.idx.msk [tilespmem:v26+s3+$0x0], $0xffff;
	(v2sf) =	vpush v60, $0xF;
	v63, _, _ =	vpop (xrf0);
	(xrf0) =	vmax.scan.msk.u32 $0xffff, v61  }
0x94: {  	v47 =	vxor.u32 $0x80000000, v53;
	v48 =	vld.idx.msk [tilespmem:v27+s3+$0x0], $0xffff;
	(v2sf) =	vpush v63, $0xF;
	v46, _, _ =	vpop (xrf0);
	(xrf0) =	vmax.scan.msk.u32 $0xffff, v44  }
0x95: {  	v50 =	vxor.u32 $0x80000000, v56;
	v51 =	vld.idx.msk [tilespmem:v28+s3+$0x0], $0xffff;
	(v2sf) =	vpush v46, $0xF;
	v49, _, _ =	vpop (xrf0);
	(xrf0) =	vmax.scan.msk.u32 $0xffff, v47  }
0x96: {  	v53 =	vxor.u32 $0x80000000, v59;
	v54 =	vld.idx.msk [tilespmem:v29+s3+$0x0], $0xffff;
	(v2sf) =	vpush v49, $0xF;
	v52, _, _ =	vpop (xrf0);
	(xrf0) =	vmax.scan.msk.u32 $0xffff, v50  }
0x97: {  	v56 =	vxor.u32 $0x80000000, v62;
	v57 =	vld.idx.msk [tilespmem:v30+s3+$0x0], $0xffff;
	s11 =	spop (v2sf);
	(v2sf) =	vpush v52, $0xF;
	v55, _, _ =	vpop (xrf0);
	(xrf0) =	vmax.scan.msk.u32 $0xffff, v53  }
0x98: {  	v59 =	vxor.u32 $0x80000000, v45;
	v60 =	vld.idx.msk [tilespmem:v31+s3+$0x0], $0xffff;
	s10 =	spop (v2sf);
	(v2sf) =	vpush v55, $0xF;
	v58, _, _ =	vpop (xrf0);
	(xrf0) =	vmax.scan.msk.u32 $0xffff, v56  }
0x99: {  	v62 =	vxor.u32 $0x80000000, v48;
	v63 =	vld.idx.msk [tilespmem:v32+s3+$0x0], $0xffff;
	s9 =	spop (v2sf);
	(v2sf) =	vpush v58, $0xF;
	v61, _, _ =	vpop (xrf0);
	(xrf0) =	vmax.scan.msk.u32 $0xffff, v59  }
0x9a: {  	v45 =	vxor.u32 $0x80000000, v51;
	s8 =	spop (v2sf);
	(v2sf) =	vpush v61, $0xF;
	v44, _, _ =	vpop (xrf0);
	(xrf0) =	vmax.scan.msk.u32 $0xffff, v62  }
0x9b: {  	v46 =	vld.idx.msk [tilespmem:v33+s3+$0x0], $0xffff;
	v48 =	vxor.u32 $0x80000000, v54;
	(v2sf) =	vpush v44, $0xF;
	v47, _, _ =	vpop (xrf0);
	(xrf0) =	vmax.scan.msk.u32 $0xffff, v45;
	s7 =	spop (v2sf)  }
0x9c: {  	v50 =	vxor.u32 $0x80000000, v57;
	(v2sf) =	vpush v47, $0xF;
	v49, _, _ =	vpop (xrf0);
	(xrf0) =	vmax.scan.msk.u32 $0xffff, v48;
	s6 =	spop (v2sf)  }
0x9d: {  	v52 =	vxor.u32 $0x80000000, v60;
	(v2sf) =	vpush v49, $0xF;
	v51, _, _ =	vpop (xrf0);
	(xrf0) =	vmax.scan.msk.u32 $0xffff, v50;
	s5 =	spop (v2sf)  }
0x9e: {  	v54 =	vxor.u32 $0x80000000, v63;
	(v2sf) =	vpush v51, $0xF;
	v53, _, _ =	vpop (xrf0);
	(xrf0) =	vmax.scan.msk.u32 $0xffff, v52;
	s4 =	spop (v2sf)  }
0x9f: {  	(v2sf) =	vpush v53, $0xF;
	v55, _, _ =	vpop (xrf0);
	(xrf0) =	vmax.scan.msk.u32 $0xffff, v54;
	s1 =	spop (v2sf)  }
0xa0: {  	v56 =	vxor.u32 $0x80000000, v46;
	s28 =	spop (v2sf);
	(v2sf) =	vpush v55, $0xF;
	v57, _, _ =	vpop (xrf0)  }
0xa1: {  	(xrf0) =	vmax.scan.msk.u32 $0xffff, v56;
	v58, _, _ =	vpop (xrf0);
	s26 =	spop (v2sf);
	(v2sf) =	vpush v57, $0xF  }
0xa2: {  	v59, _, _ =	vpop (xrf0);
	s19 =	spop (v2sf);
	(v2sf) =	vpush v58, $0xF  }
0xa3: {  	v60, _, _ =	vpop (xrf0);
	s0 =	spop (v2sf);
	(v2sf) =	vpush v59, $0xF  }
0xa4: {  	[dreg:$0x1f] =	wrdreg s0;
	v61, _, _ =	vpop (xrf0);
	s0 =	spop (v2sf);
	(v2sf) =	vpush v60, $0xF  }
0xa5: {  	[dreg:$0x1e] =	wrdreg s0;
	v62, _, _ =	vpop (xrf0);
	s0 =	spop (v2sf);
	(v2sf) =	vpush v61, $0xF  }
0xa6: {  	[dreg:$0x1d] =	wrdreg s0;
	s0 =	spop (v2sf);
	(v2sf) =	vpush v62, $0xF  }
0xa7: {  	v63, _, _ =	vpop (xrf0);
	[dreg:$0x1c] =	wrdreg s0;
	s0 =	spop (v2sf)  }
0xa8: {  	(v2sf) =	vpush v63, $0xF;
	[dreg:$0x1b] =	wrdreg s0;
	s0 =	spop (v2sf)  }
0xa9: {  	[dreg:$0x1a] =	wrdreg s0;
	s0 =	spop (v2sf)  }
0xaa: {  	[dreg:$0x19] =	wrdreg s0;
	s0 =	spop (v2sf)  }
0xab: {  	[dreg:$0x18] =	wrdreg s0;
	s0 =	spop (v2sf)  }
0xac: {  	[dreg:$0x17] =	wrdreg s0;
	s0 =	spop (v2sf)  }
0xad: {  	[dreg:$0x16] =	wrdreg s0;
	s0 =	spop (v2sf)  }
0xae: {  	[dreg:$0x15] =	wrdreg s0;
	s0 =	spop (v2sf)  }
0xaf: {  	[dreg:$0x14] =	wrdreg s0;
	s0 =	spop (v2sf)  }
0xb0: {  	[dreg:$0x13] =	wrdreg s0;
	s0 =	spop (v2sf)  }
0xb1: {  	[dreg:$0x12] =	wrdreg s0;
	s0 =	spop (v2sf)  }
0xb2: {  	[dreg:$0x11] =	wrdreg s0;
	s0 =	spop (v2sf)  }
0xb3: {  	[dreg:$0x10] =	wrdreg s0;
	s0 =	spop (v2sf)  }
0xb4: {  	[dreg:$0xf] =	wrdreg s0;
	s0 =	spop (v2sf)  }
0xb5: {  	[dreg:$0xe] =	wrdreg s0;
	s0 =	spop (v2sf)  }
0xb6: {  	p0 =	slt.u32 s11, $0x800003E8;
	[dreg:$0xd] =	wrdreg s0  }
.Ltmp2:
0xb7: {  	s0 =	spop (v2sf);
	(pc) =	sbr.rel @p0 .LBB2_5-.Ltmp2, $4  }
0xb8: {  	[dreg:$0xc] =	wrdreg s0;
	s0 =	simm.s32 $0x1  }
0xb9: {  	_ =	swait.ge [sflag:s0], $0x8000  }
0xba: {  	[sflag:s0] =	ssyncset.done $0x0  }
0xbb: {  	[sflag:s0] =	ssyncadd.s32 $0xFFFF8000  }
0xbc: {  	s0 =	smov.u32 s30  }
0xbd: {  	s30 =	smov.u32 s31;
	s31 =	smov.u32 s24;
	s24 =	smov.u32 s29  }
0xbe: {  	s29 =	smov.u32 s23;
	s23 =	smov.u32 s20;
	s20 =	smov.u32 s18  }
0xbf: {  	s18 =	smov.u32 s17;
	s11 =	sand.u32 $0x70, s3;
	s12 =	sand.u32 $0x7C00, s3  }
0xc0: {  	s17 =	smov.u32 s16;
	s16 =	smov.u32 s15;
	s12 =	sor.u32 s11, s12  }
0xc1: {  	s15 =	smov.u32 s14;
	s11 =	sadd.s32 $0x10, s3;
	[tilespmem:s12+$0x100] =	vst v34;
	s12 =	simm.s32 $0x0  }
.LBB2_3:
0xc2: {  	p0 =	sne.s32 s11, $0xFF0  }
.Ltmp3:
0xc3: {  	_ = 	snop;
	(pc) =	sbr.rel @p0 .LBB2_3-.Ltmp3, $4  }
0xc4: {  	s12 =	sadd.s32 $0x80, s12  }
0xc5: {  	s13 =	sand.u32 $0x70, s11;
	s14 =	sand.u32 $0x7C00, s12  }
0xc6: {  	s13 =	sor.u32 s13, s14  }
0xc7: {  	s11 =	sadd.s32 $0x10, s11;
	[tilespmem:s13+$0x100] =	vst v34  }
0xc8: {  	s14 =	smov.u32 s15  }
0xc9: {  	s15 =	smov.u32 s16;
	s16 =	smov.u32 s17;
	s17 =	smov.u32 s18  }
0xca: {  	s18 =	smov.u32 s20;
	s20 =	smov.u32 s23;
	s23 =	smov.u32 s29  }
0xcb: {  	s29 =	smov.u32 s24;
	s24 =	smov.u32 s31;
	s13 =	rddreg [dreg:$0x4]  }
0xcc: {  	s31 =	smov.u32 s30;
	s30 =	smov.u32 s0;
	s12 =	rddreg [dreg:$0x5]  }
.LBB2_5:
0xcd: {  	p0 =	slt.u32 s10, $0x800003E8  }
.Ltmp4:
0xce: {  	_ = 	snop;
	(pc) =	sbr.rel @p0 .LBB2_9-.Ltmp4, $2  }
0xcf: {  	_ =	sdelay $0x2  }
0xd0: {  	s10 =	simm.s32 $0x0  }
0xd1: {  	s11 =	sand.u32 $0x70, s10;
	s12 =	sand.u32 $0x7C00, s10  }
0xd2: {  	s12 =	sor.u32 s11, s12  }
0xd3: {  	s11 =	sadd.s32 $0x10, s10;
	[tilespmem:s12+$0x180] =	vst v34  }
.LBB2_7:
0xd4: {  	p0 =	sne.s32 s11, $0xFF0  }
.Ltmp5:
0xd5: {  	_ = 	snop;
	(pc) =	sbr.rel @p0 .LBB2_7-.Ltmp5, $4  }
0xd6: {  	s10 =	sadd.s32 $0x80, s10  }
0xd7: {  	s12 =	sand.u32 $0x70, s11;
	s13 =	sand.u32 $0x7C00, s10  }
0xd8: {  	s12 =	sor.u32 s12, s13  }
0xd9: {  	s11 =	sadd.s32 $0x10, s11;
	[tilespmem:s12+$0x180] =	vst v34  }
0xda: {  	s13 =	rddreg [dreg:$0x4]  }
0xdb: {  	s12 =	rddreg [dreg:$0x5]  }
.LBB2_9:
0xdc: {  	p0 =	slt.u32 s9, $0x800003E8  }
.Ltmp6:
0xdd: {  	_ = 	snop;
	(pc) =	sbr.rel @p0 .LBB2_13-.Ltmp6, $2  }
0xde: {  	_ =	sdelay $0x2  }
0xdf: {  	s9 =	simm.s32 $0x0  }
0xe0: {  	s10 =	sand.u32 $0x70, s9;
	s11 =	sand.u32 $0x7C00, s9  }
0xe1: {  	s11 =	sor.u32 s10, s11  }
0xe2: {  	s10 =	sadd.s32 $0x10, s9;
	[tilespmem:s11+$0x200] =	vst v34  }
.LBB2_11:
0xe3: {  	p0 =	sne.s32 s10, $0xFF0  }
.Ltmp7:
0xe4: {  	_ = 	snop;
	(pc) =	sbr.rel @p0 .LBB2_11-.Ltmp7, $4  }
0xe5: {  	s9 =	sadd.s32 $0x80, s9  }
0xe6: {  	s11 =	sand.u32 $0x70, s10;
	s12 =	sand.u32 $0x7C00, s9  }
0xe7: {  	s11 =	sor.u32 s11, s12  }
0xe8: {  	s10 =	sadd.s32 $0x10, s10;
	[tilespmem:s11+$0x200] =	vst v34  }
0xe9: {  	s12 =	rddreg [dreg:$0x5]  }
.LBB2_13:
0xea: {  	p0 =	slt.u32 s8, $0x800003E8  }
.Ltmp8:
0xeb: {  	_ = 	snop;
	(pc) =	sbr.rel @p0 .LBB2_16-.Ltmp8, $2  }
0xec: {  	_ =	sdelay $0x2  }
0xed: {  	s8 =	simm.s32 $0x0  }
0xee: {  	s9 =	sand.u32 $0x70, s8;
	s10 =	sand.u32 $0x7C00, s8  }
0xef: {  	s10 =	sor.u32 s9, s10  }
0xf0: {  	s9 =	sadd.s32 $0x10, s8;
	[tilespmem:s10+$0x280] =	vst v34  }
.LBB2_15:
0xf1: {  	p0 =	sne.s32 s9, $0xFF0  }
.Ltmp9:
0xf2: {  	_ = 	snop;
	(pc) =	sbr.rel @p0 .LBB2_15-.Ltmp9, $4  }
0xf3: {  	s8 =	sadd.s32 $0x80, s8  }
0xf4: {  	s10 =	sand.u32 $0x70, s9;
	s11 =	sand.u32 $0x7C00, s8  }
0xf5: {  	s10 =	sor.u32 s10, s11  }
0xf6: {  	s9 =	sadd.s32 $0x10, s9;
	[tilespmem:s10+$0x280] =	vst v34  }
.LBB2_16:
0xf7: {  	p0 =	slt.u32 s7, $0x800003E8  }
.Ltmp10:
0xf8: {  	_ = 	snop;
	(pc) =	sbr.rel @p0 .LBB2_19-.Ltmp10, $2  }
0xf9: {  	_ =	sdelay $0x2  }
0xfa: {  	s7 =	simm.s32 $0x0;
	s11 =	smov.u32 s2  }
0xfb: {  	s8 =	sand.u32 $0x70, s7;
	s9 =	sand.u32 $0x7C00, s7  }
0xfc: {  	s9 =	sor.u32 s8, s9  }
0xfd: {  	s8 =	sadd.s32 $0x10, s7;
	[tilespmem:s9+$0x300] =	vst v34  }
.LBB2_18:
0xfe: {  	p0 =	sne.s32 s8, $0xFF0  }
.Ltmp11:
0xff: {  	_ = 	snop;
	(pc) =	sbr.rel @p0 .LBB2_18-.Ltmp11, $4  }
0x100: {  	s7 =	sadd.s32 $0x80, s7  }
0x101: {  	s9 =	sand.u32 $0x70, s8;
	s10 =	sand.u32 $0x7C00, s7  }
0x102: {  	s9 =	sor.u32 s9, s10  }
0x103: {  	s8 =	sadd.s32 $0x10, s8;
	[tilespmem:s9+$0x300] =	vst v34  }
.LBB2_19:
0x104: {  	p0 =	slt.u32 s6, $0x800003E8  }
.Ltmp12:
0x105: {  	_ = 	snop;
	(pc) =	sbr.rel @p0 .LBB2_22-.Ltmp12, $2  }
0x106: {  	_ =	sdelay $0x2  }
0x107: {  	s6 =	simm.s32 $0x0;
	s10 =	simm.s32 $0x100  }
0x108: {  	s7 =	sand.u32 $0x70, s6;
	s8 =	sand.u32 $0x7C00, s6  }
0x109: {  	s8 =	sor.u32 s7, s8  }
0x10a: {  	s7 =	sadd.s32 $0x10, s6;
	[tilespmem:s8+$0x380] =	vst v34  }
.LBB2_21:
0x10b: {  	p0 =	sne.s32 s7, $0xFF0  }
.Ltmp13:
0x10c: {  	_ = 	snop;
	(pc) =	sbr.rel @p0 .LBB2_21-.Ltmp13, $4  }
0x10d: {  	s6 =	sadd.s32 $0x80, s6  }
0x10e: {  	s8 =	sand.u32 $0x70, s7;
	s9 =	sand.u32 $0x7C00, s6  }
0x10f: {  	s8 =	sor.u32 s8, s9  }
0x110: {  	s7 =	sadd.s32 $0x10, s7;
	[tilespmem:s8+$0x380] =	vst v34  }
.LBB2_22:
0x111: {  	p0 =	slt.u32 s5, $0x800003E8  }
.Ltmp14:
0x112: {  	_ = 	snop;
	(pc) =	sbr.rel @p0 .LBB2_25-.Ltmp14, $2  }
0x113: {  	_ =	sdelay $0x2  }
0x114: {  	s5 =	simm.s32 $0x0;
	s9 =	simm.s32 $0x2900  }
0x115: {  	s6 =	sand.u32 $0x70, s5;
	s7 =	sand.u32 $0x7C00, s5  }
0x116: {  	s7 =	sor.u32 s6, s7  }
0x117: {  	s6 =	sadd.s32 $0x10, s5;
	[tilespmem:s7+$0x400] =	vst v34  }
.LBB2_24:
0x118: {  	p0 =	sne.s32 s6, $0xFF0  }
.Ltmp15:
0x119: {  	_ = 	snop;
	(pc) =	sbr.rel @p0 .LBB2_24-.Ltmp15, $4  }
0x11a: {  	s5 =	sadd.s32 $0x80, s5  }
0x11b: {  	s7 =	sand.u32 $0x70, s6;
	s8 =	sand.u32 $0x7C00, s5  }
0x11c: {  	s7 =	sor.u32 s7, s8  }
0x11d: {  	s6 =	sadd.s32 $0x10, s6;
	[tilespmem:s7+$0x400] =	vst v34  }
.LBB2_25:
0x11e: {  	p0 =	slt.u32 s4, $0x800003E8  }
.Ltmp16:
0x11f: {  	_ = 	snop;
	(pc) =	sbr.rel @p0 .LBB2_28-.Ltmp16, $2  }
0x120: {  	_ =	sdelay $0x2  }
0x121: {  	s4 =	simm.s32 $0x0;
	s8 =	simm.s32 $0x2100  }
0x122: {  	s5 =	sand.u32 $0x7, s4  }
0x123: {  	s5 =	sshll.u32 s5, $0x4  }
0x124: {  	s5 =	sadd.s32 s5, s4  }
0x125: {  	s6 =	sor.u32 $0x380, s5  }
0x126: {  	s5 =	sadd.s32 $0x10, s4;
	[tilespmem:s6+$0x100] =	vst v34;
	s6 =	sadd.s32 $0x1, s4  }
.LBB2_27:
0x127: {  	s7 =	sand.u32 $0x7, s6;
	p0 =	sne.s32 s5, $0xFF0;
	s5 =	sadd.s32 $0x10, s5  }
.Ltmp17:
0x128: {  	s4 =	sadd.s32 $0x80, s4;
	s7 =	sshll.u32 s7, $0x4;
	(pc) =	sbr.rel @p0 .LBB2_27-.Ltmp17, $4  }
0x129: {  	s7 =	sadd.s32 s7, s4  }
0x12a: {  	s7 =	sor.u32 $0x380, s7  }
0x12b: {  	[tilespmem:s7+$0x100] =	vst v34  }
0x12c: {  	s6 =	sadd.s32 $0x1, s6  }
.LBB2_28:
0x12d: {  	s4 =	simm.s32 $0x0;
	s0 =	rddreg [dreg:$0x6]  }
0x12e: {  	[hbm4b:s0+s4] =	stream.linear.scatter [tilespmem:s10], [sflag:$0x3], $0x8000, $0x38;
	[tilespmem:$0x18100] =	vst v63  }
0x12f: {  	v35 =	vld.msk [tilespmem:$0x90], $0xff;
	_ =	sdelay $0x4  }
0x130: {  	v36 =	vshll.u32 v35, $0x5  }
0x131: {  	v35 =	vand.u32 $0x7, v35;
	v36 =	vand.u32 $0xFFFFFF00, v36  }
0x132: {  	v35 =	vor.u32 v35, v36  }
0x133: {  	v35 =	vperm.xlane v35, v0;
	_ =	sdelay $0x1  }
0x134: {  	v35 =	vadd.s32 v1, v35;
	_ =	sdelay $0x3  }
0x135: {  	s7 =	simm.s32 $0x10100  }
0x136: {  	[tilespmem:s7], [sflag:$0x1] =	stream.indirect_vreg.gather [hbm4b:s14+s4], $0x80, v35, vm0, $0xb8;
	[tilespmem:$0x18100] =	vst v63  }
0x137: {  	s2 =	simm.s32 $0x10900  }
0x138: {  	[tilespmem:s2], [sflag:$0x1] =	stream.indirect_vreg.gather [hbm4b:s16+s4], $0x80, v35, vm0, $0xb8;
	[tilespmem:$0x18100] =	vst v63  }
0x139: {  	s5 =	simm.s32 $0x11100  }
0x13a: {  	[tilespmem:s5], [sflag:$0x1] =	stream.indirect_vreg.gather [hbm4b:s17+s4], $0x80, v35, vm0, $0xb8;
	[tilespmem:$0x18100] =	vst v63  }
0x13b: {  	s6 =	simm.s32 $0x11900  }
0x13c: {  	[tilespmem:s6], [sflag:$0x1] =	stream.indirect_vreg.gather [hbm4b:s18+s4], $0x80, v35, vm0, $0xb8;
	[tilespmem:$0x18100] =	vst v63  }
0x13d: {  	s7 =	simm.s32 $0x12100  }
0x13e: {  	[tilespmem:s7], [sflag:$0x1] =	stream.indirect_vreg.gather [hbm4b:s20+s4], $0x80, v35, vm0, $0xb8;
	[tilespmem:$0x18100] =	vst v63  }
0x13f: {  	s2 =	simm.s32 $0x12900  }
0x140: {  	[tilespmem:s2], [sflag:$0x1] =	stream.indirect_vreg.gather [hbm4b:s23+s4], $0x80, v35, vm0, $0xb8;
	[tilespmem:$0x18100] =	vst v63  }
0x141: {  	s5 =	simm.s32 $0x13100  }
0x142: {  	[tilespmem:s5], [sflag:$0x1] =	stream.indirect_vreg.gather [hbm4b:s29+s4], $0x80, v35, vm0, $0xb8;
	[tilespmem:$0x18100] =	vst v63  }
0x143: {  	s6 =	simm.s32 $0x13900  }
0x144: {  	[tilespmem:s6], [sflag:$0x1] =	stream.indirect_vreg.gather [hbm4b:s24+s4], $0x80, v35, vm0, $0xb8;
	[tilespmem:$0x18100] =	vst v63  }
0x145: {  	s7 =	simm.s32 $0x14100  }
0x146: {  	[tilespmem:s7], [sflag:$0x1] =	stream.indirect_vreg.gather [hbm4b:s31+s4], $0x80, v35, vm0, $0xb8;
	[tilespmem:$0x18100] =	vst v63  }
0x147: {  	s2 =	simm.s32 $0x14900  }
0x148: {  	[tilespmem:s2], [sflag:$0x1] =	stream.indirect_vreg.gather [hbm4b:s30+s4], $0x80, v35, vm0, $0xb8;
	[tilespmem:$0x18100] =	vst v63  }
0x149: {  	s5 =	simm.s32 $0x15100  }
0x14a: {  	[tilespmem:s5], [sflag:$0x1] =	stream.indirect_vreg.gather [hbm4b:s11+s4], $0x80, v35, vm0, $0xb8;
	[tilespmem:$0x18100] =	vst v63  }
0x14b: {  	s6 =	simm.s32 $0x15900  }
0x14c: {  	[tilespmem:s6], [sflag:$0x1] =	stream.indirect_vreg.gather [hbm4b:s13+s4], $0x80, v35, vm0, $0xb8;
	[tilespmem:$0x18100] =	vst v63  }
0x14d: {  	s7 =	simm.s32 $0x16100  }
0x14e: {  	[tilespmem:s7], [sflag:$0x1] =	stream.indirect_vreg.gather [hbm4b:s12+s4], $0x80, v35, vm0, $0xb8;
	[tilespmem:$0x18100] =	vst v63  }
0x14f: {  	s2 =	simm.s32 $0x16900  }
0x150: {  	[tilespmem:s2], [sflag:$0x1] =	stream.indirect_vreg.gather [hbm4b:s25+s4], $0x80, v35, vm0, $0xb8;
	[tilespmem:$0x18100] =	vst v63  }
0x151: {  	p0 =	slt.u32 s1, $0x800003E8;
	s5 =	simm.s32 $0x17100;
	s6 =	rddreg [dreg:$0x7]  }
0x152: {  	[tilespmem:s5], [sflag:$0x1] =	stream.indirect_vreg.gather [hbm4b:s21+s4], $0x80, v35, vm0, $0xb8;
	[tilespmem:$0x18100] =	vst v63  }
.Ltmp18:
0x153: {  	s7 =	simm.s32 $0x2;
	s2 =	simm.s32 $0x17900;
	(pc) =	sbr.rel @p0 .LBB2_31-.Ltmp18, $4  }
0x154: {  	[tilespmem:s2], [sflag:$0x1] =	stream.indirect_vreg.gather [hbm4b:s6+s4], $0x80, v35, vm0, $0xb8;
	[tilespmem:$0x18100] =	vst v63  }
0x155: {  	_ =	swait.ge [sflag:s7], $0x8000  }
0x156: {  	[sflag:s7] =	ssyncset.done $0x0  }
0x157: {  	[sflag:s7] =	ssyncadd.s32 $0xFFFF8000;
	s7 =	simm.s32 $0x1900  }
0x158: {  	s1 =	sand.u32 $0x70, s4;
	s5 =	sand.u32 $0x7C00, s4  }
0x159: {  	s5 =	sor.u32 s1, s5  }
0x15a: {  	s1 =	sadd.s32 $0x10, s4;
	[tilespmem:s5+$0x8100] =	vst v34  }
.LBB2_30:
0x15b: {  	p0 =	sne.s32 s1, $0xFF0  }
.Ltmp19:
0x15c: {  	_ = 	snop;
	(pc) =	sbr.rel @p0 .LBB2_30-.Ltmp19, $4  }
0x15d: {  	s4 =	sadd.s32 $0x80, s4  }
0x15e: {  	s5 =	sand.u32 $0x70, s1;
	s6 =	sand.u32 $0x7C00, s4  }
0x15f: {  	s5 =	sor.u32 s5, s6  }
0x160: {  	s1 =	sadd.s32 $0x10, s1;
	[tilespmem:s5+$0x8100] =	vst v34  }
.LBB2_31:
0x161: {  	p0 =	slt.u32 s28, $0x800003E8  }
.Ltmp20:
0x162: {  	_ = 	snop;
	(pc) =	sbr.rel @p0 .LBB2_34-.Ltmp20, $2  }
0x163: {  	_ =	sdelay $0x2  }
0x164: {  	s1 =	simm.s32 $0x0;
	s28 =	simm.s32 $0x4100  }
0x165: {  	s4 =	sand.u32 $0x70, s1;
	s5 =	sand.u32 $0x7C00, s1  }
0x166: {  	s5 =	sor.u32 s4, s5  }
0x167: {  	s4 =	sadd.s32 $0x10, s1;
	[tilespmem:s5+$0x8180] =	vst v34  }
.LBB2_33:
0x168: {  	p0 =	sne.s32 s4, $0xFF0  }
.Ltmp21:
0x169: {  	_ = 	snop;
	(pc) =	sbr.rel @p0 .LBB2_33-.Ltmp21, $4  }
0x16a: {  	s1 =	sadd.s32 $0x80, s1  }
0x16b: {  	s5 =	sand.u32 $0x70, s4;
	s6 =	sand.u32 $0x7C00, s1  }
0x16c: {  	s5 =	sor.u32 s5, s6  }
0x16d: {  	s4 =	sadd.s32 $0x10, s4;
	[tilespmem:s5+$0x8180] =	vst v34  }
.LBB2_34:
0x16e: {  	p0 =	slt.u32 s26, $0x800003E8  }
.Ltmp22:
0x16f: {  	_ = 	snop;
	(pc) =	sbr.rel @p0 .LBB2_37-.Ltmp22, $2  }
0x170: {  	_ =	sdelay $0x2  }
0x171: {  	s1 =	simm.s32 $0x0;
	s26 =	simm.s32 $0x3900  }
0x172: {  	s4 =	sand.u32 $0x70, s1;
	s5 =	sand.u32 $0x7C00, s1  }
0x173: {  	s5 =	sor.u32 s4, s5  }
0x174: {  	s4 =	sadd.s32 $0x10, s1;
	[tilespmem:s5+$0x8200] =	vst v34  }
.LBB2_36:
0x175: {  	p0 =	sne.s32 s4, $0xFF0  }
.Ltmp23:
0x176: {  	_ = 	snop;
	(pc) =	sbr.rel @p0 .LBB2_36-.Ltmp23, $4  }
0x177: {  	s1 =	sadd.s32 $0x80, s1  }
0x178: {  	s5 =	sand.u32 $0x70, s4;
	s6 =	sand.u32 $0x7C00, s1  }
0x179: {  	s5 =	sor.u32 s5, s6  }
0x17a: {  	s4 =	sadd.s32 $0x10, s4;
	[tilespmem:s5+$0x8200] =	vst v34  }
.LBB2_37:
0x17b: {  	p0 =	slt.u32 s19, $0x800003E8  }
.Ltmp24:
0x17c: {  	_ = 	snop;
	(pc) =	sbr.rel @p0 .LBB2_40-.Ltmp24, $2  }
0x17d: {  	_ =	sdelay $0x2  }
0x17e: {  	s1 =	simm.s32 $0x0;
	s19 =	simm.s32 $0x3100  }
0x17f: {  	s4 =	sand.u32 $0x70, s1;
	s5 =	sand.u32 $0x7C00, s1  }
0x180: {  	s5 =	sor.u32 s4, s5  }
0x181: {  	s4 =	sadd.s32 $0x10, s1;
	[tilespmem:s5+$0x8280] =	vst v34  }
.LBB2_39:
0x182: {  	p0 =	sne.s32 s4, $0xFF0  }
.Ltmp25:
0x183: {  	_ = 	snop;
	(pc) =	sbr.rel @p0 .LBB2_39-.Ltmp25, $4  }
0x184: {  	s1 =	sadd.s32 $0x80, s1  }
0x185: {  	s5 =	sand.u32 $0x70, s4;
	s6 =	sand.u32 $0x7C00, s1  }
0x186: {  	s5 =	sor.u32 s5, s6  }
0x187: {  	s4 =	sadd.s32 $0x10, s4;
	[tilespmem:s5+$0x8280] =	vst v34  }
.LBB2_40:
0x188: {  	s0 =	rddreg [dreg:$0x1f]  }
0x189: {  	p0 =	slt.u32 s0, $0x800003E8  }
.Ltmp26:
0x18a: {  	_ = 	snop;
	(pc) =	sbr.rel @p0 .LBB2_43-.Ltmp26, $2  }
0x18b: {  	_ =	sdelay $0x2  }
0x18c: {  	s1 =	simm.s32 $0x0;
	s6 =	simm.s32 $0x1100  }
0x18d: {  	s2 =	sand.u32 $0x70, s1;
	s4 =	sand.u32 $0x7C00, s1  }
0x18e: {  	s4 =	sor.u32 s2, s4  }
0x18f: {  	s2 =	sadd.s32 $0x10, s1;
	[tilespmem:s4+$0x8300] =	vst v34  }
.LBB2_42:
0x190: {  	p0 =	sne.s32 s2, $0xFF0  }
.Ltmp27:
0x191: {  	_ = 	snop;
	(pc) =	sbr.rel @p0 .LBB2_42-.Ltmp27, $4  }
0x192: {  	s1 =	sadd.s32 $0x80, s1  }
0x193: {  	s4 =	sand.u32 $0x70, s2;
	s5 =	sand.u32 $0x7C00, s1  }
0x194: {  	s4 =	sor.u32 s4, s5  }
0x195: {  	s2 =	sadd.s32 $0x10, s2;
	[tilespmem:s4+$0x8300] =	vst v34  }
.LBB2_43:
0x196: {  	s0 =	rddreg [dreg:$0x1e]  }
0x197: {  	p0 =	slt.u32 s0, $0x800003E8  }
.Ltmp28:
0x198: {  	_ = 	snop;
	(pc) =	sbr.rel @p0 .LBB2_46-.Ltmp28, $2  }
0x199: {  	_ =	sdelay $0x2  }
0x19a: {  	s1 =	simm.s32 $0x0  }
0x19b: {  	s2 =	sand.u32 $0x70, s1;
	s4 =	sand.u32 $0x7C00, s1  }
0x19c: {  	s4 =	sor.u32 s2, s4  }
0x19d: {  	s2 =	sadd.s32 $0x10, s1;
	[tilespmem:s4+$0x8380] =	vst v34  }
.LBB2_45:
0x19e: {  	p0 =	sne.s32 s2, $0xFF0  }
.Ltmp29:
0x19f: {  	_ = 	snop;
	(pc) =	sbr.rel @p0 .LBB2_45-.Ltmp29, $4  }
0x1a0: {  	s1 =	sadd.s32 $0x80, s1  }
0x1a1: {  	s4 =	sand.u32 $0x70, s2;
	s5 =	sand.u32 $0x7C00, s1  }
0x1a2: {  	s4 =	sor.u32 s4, s5  }
0x1a3: {  	s2 =	sadd.s32 $0x10, s2;
	[tilespmem:s4+$0x8380] =	vst v34  }
.LBB2_46:
0x1a4: {  	s0 =	rddreg [dreg:$0x1d]  }
0x1a5: {  	p0 =	slt.u32 s0, $0x800003E8  }
.Ltmp30:
0x1a6: {  	_ = 	snop;
	(pc) =	sbr.rel @p0 .LBB2_49-.Ltmp30, $2  }
0x1a7: {  	_ =	sdelay $0x2  }
0x1a8: {  	s1 =	simm.s32 $0x0  }
0x1a9: {  	s2 =	sand.u32 $0x70, s1;
	s4 =	sand.u32 $0x7C00, s1  }
0x1aa: {  	s4 =	sor.u32 s2, s4  }
0x1ab: {  	s2 =	sadd.s32 $0x10, s1;
	[tilespmem:s4+$0x8400] =	vst v34  }
.LBB2_48:
0x1ac: {  	p0 =	sne.s32 s2, $0xFF0  }
.Ltmp31:
0x1ad: {  	_ = 	snop;
	(pc) =	sbr.rel @p0 .LBB2_48-.Ltmp31, $4  }
0x1ae: {  	s1 =	sadd.s32 $0x80, s1  }
0x1af: {  	s4 =	sand.u32 $0x70, s2;
	s5 =	sand.u32 $0x7C00, s1  }
0x1b0: {  	s4 =	sor.u32 s4, s5  }
0x1b1: {  	s2 =	sadd.s32 $0x10, s2;
	[tilespmem:s4+$0x8400] =	vst v34  }
.LBB2_49:
0x1b2: {  	s0 =	rddreg [dreg:$0x1c]  }
0x1b3: {  	p0 =	slt.u32 s0, $0x800003E8  }
.Ltmp32:
0x1b4: {  	_ = 	snop;
	(pc) =	sbr.rel @p0 .LBB2_52-.Ltmp32, $2  }
0x1b5: {  	_ =	sdelay $0x2  }
0x1b6: {  	s5 =	simm.s32 $0x900;
	s0 =	simm.s32 $0x0  }
0x1b7: {  	s1 =	sand.u32 $0x70, s0;
	s2 =	sand.u32 $0x7C00, s0  }
0x1b8: {  	s2 =	sor.u32 s1, s2  }
0x1b9: {  	s1 =	sadd.s32 $0x10, s0;
	[tilespmem:s2+$0x8480] =	vst v34  }
.LBB2_51:
0x1ba: {  	p0 =	sne.s32 s1, $0xFF0  }
.Ltmp33:
0x1bb: {  	_ = 	snop;
	(pc) =	sbr.rel @p0 .LBB2_51-.Ltmp33, $4  }
0x1bc: {  	s0 =	sadd.s32 $0x80, s0  }
0x1bd: {  	s2 =	sand.u32 $0x70, s1;
	s4 =	sand.u32 $0x7C00, s0  }
0x1be: {  	s2 =	sor.u32 s2, s4  }
0x1bf: {  	s1 =	sadd.s32 $0x10, s1;
	[tilespmem:s2+$0x8480] =	vst v34  }
.LBB2_52:
0x1c0: {  	s0 =	simm.s32 $0x0  }
0x1c1: {  	s1 =	rddreg [dreg:$0x8];
	s2 =	simm.s32 $0x8100;
	s4 =	simm.s32 $0x3  }
0x1c2: {  	[hbm4b:s1+s0] =	stream.linear.scatter [tilespmem:s2], [sflag:$0x4], $0x8000, $0x38;
	[tilespmem:$0x18100] =	vst v63  }
0x1c3: {  	_ =	swait.ge [sflag:s4], $0x8000  }
0x1c4: {  	[sflag:s4] =	ssyncset.done $0x0  }
0x1c5: {  	[sflag:s4] =	ssyncadd.s32 $0xFFFF8000  }
0x1c6: {  	v35 =	vld.msk [tilespmem:$0x98], $0xff;
	_ =	sdelay $0x4  }
0x1c7: {  	v36 =	vshll.u32 v35, $0x5  }
0x1c8: {  	v35 =	vand.u32 $0x7, v35;
	v36 =	vand.u32 $0xFFFFFF00, v36  }
0x1c9: {  	v35 =	vor.u32 v35, v36  }
0x1ca: {  	v35 =	vperm.xlane v35, v0;
	_ =	sdelay $0x1  }
0x1cb: {  	v35 =	vadd.s32 v1, v35;
	_ =	sdelay $0x4  }
0x1cc: {  	[tilespmem:s10], [sflag:$0x2] =	stream.indirect_vreg.gather [hbm4b:s14+s0], $0x80, v35, vm0, $0xb8;
	[tilespmem:$0x18100] =	vst v63  }
0x1cd: {  	_ = 	snop  }
0x1ce: {  	[tilespmem:s5], [sflag:$0x2] =	stream.indirect_vreg.gather [hbm4b:s16+s0], $0x80, v35, vm0, $0xb8;
	[tilespmem:$0x18100] =	vst v63  }
0x1cf: {  	_ = 	snop  }
0x1d0: {  	[tilespmem:s6], [sflag:$0x2] =	stream.indirect_vreg.gather [hbm4b:s17+s0], $0x80, v35, vm0, $0xb8;
	[tilespmem:$0x18100] =	vst v63  }
0x1d1: {  	_ = 	snop  }
0x1d2: {  	[tilespmem:s7], [sflag:$0x2] =	stream.indirect_vreg.gather [hbm4b:s18+s0], $0x80, v35, vm0, $0xb8;
	[tilespmem:$0x18100] =	vst v63  }
0x1d3: {  	_ = 	snop  }
0x1d4: {  	[tilespmem:s8], [sflag:$0x2] =	stream.indirect_vreg.gather [hbm4b:s20+s0], $0x80, v35, vm0, $0xb8;
	[tilespmem:$0x18100] =	vst v63  }
0x1d5: {  	_ = 	snop  }
0x1d6: {  	[tilespmem:s9], [sflag:$0x2] =	stream.indirect_vreg.gather [hbm4b:s23+s0], $0x80, v35, vm0, $0xb8;
	[tilespmem:$0x18100] =	vst v63  }
0x1d7: {  	_ = 	snop  }
0x1d8: {  	[tilespmem:s19], [sflag:$0x2] =	stream.indirect_vreg.gather [hbm4b:s29+s0], $0x80, v35, vm0, $0xb8;
	[tilespmem:$0x18100] =	vst v63  }
0x1d9: {  	_ = 	snop  }
0x1da: {  	[tilespmem:s26], [sflag:$0x2] =	stream.indirect_vreg.gather [hbm4b:s24+s0], $0x80, v35, vm0, $0xb8;
	[tilespmem:$0x18100] =	vst v63  }
0x1db: {  	_ = 	snop  }
0x1dc: {  	[tilespmem:s28], [sflag:$0x2] =	stream.indirect_vreg.gather [hbm4b:s31+s0], $0x80, v35, vm0, $0xb8;
	[tilespmem:$0x18100] =	vst v63  }
0x1dd: {  	s2 =	simm.s32 $0x4900  }
0x1de: {  	[tilespmem:s2], [sflag:$0x2] =	stream.indirect_vreg.gather [hbm4b:s30+s0], $0x80, v35, vm0, $0xb8;
	[tilespmem:$0x18100] =	vst v63  }
0x1df: {  	s4 =	simm.s32 $0x5100  }
0x1e0: {  	[tilespmem:s4], [sflag:$0x2] =	stream.indirect_vreg.gather [hbm4b:s11+s0], $0x80, v35, vm0, $0xb8;
	[tilespmem:$0x18100] =	vst v63  }
0x1e1: {  	s2 =	simm.s32 $0x5900  }
0x1e2: {  	[tilespmem:s2], [sflag:$0x2] =	stream.indirect_vreg.gather [hbm4b:s13+s0], $0x80, v35, vm0, $0xb8;
	[tilespmem:$0x18100] =	vst v63  }
0x1e3: {  	s4 =	simm.s32 $0x6100  }
0x1e4: {  	[tilespmem:s4], [sflag:$0x2] =	stream.indirect_vreg.gather [hbm4b:s12+s0], $0x80, v35, vm0, $0xb8;
	[tilespmem:$0x18100] =	vst v63  }
0x1e5: {  	s2 =	simm.s32 $0x6900  }
0x1e6: {  	[tilespmem:s2], [sflag:$0x2] =	stream.indirect_vreg.gather [hbm4b:s25+s0], $0x80, v35, vm0, $0xb8;
	[tilespmem:$0x18100] =	vst v63  }
0x1e7: {  	s4 =	simm.s32 $0x7100  }
0x1e8: {  	[tilespmem:s4], [sflag:$0x2] =	stream.indirect_vreg.gather [hbm4b:s21+s0], $0x80, v35, vm0, $0xb8;
	[tilespmem:$0x18100] =	vst v63  }
0x1e9: {  	s1 =	simm.s32 $0x1;
	s2 =	rddreg [dreg:$0x7];
	s4 =	simm.s32 $0x7900  }
0x1ea: {  	[tilespmem:s4], [sflag:$0x2] =	stream.indirect_vreg.gather [hbm4b:s2+s0], $0x80, v35, vm0, $0xb8;
	[tilespmem:$0x18100] =	vst v63  }
0x1eb: {  	_ =	swait.ge [sflag:s1], $0x8000  }
0x1ec: {  	s4 =	rddreg [dreg:$0x1b]  }
0x1ed: {  	p0 =	slt.u32 s4, $0x800003E8  }
.Ltmp34:
0x1ee: {  	_ = 	snop;
	(pc) =	sbr.rel @p0 .LBB2_55-.Ltmp34, $3  }
0x1ef: {  	_ =	sdelay $0x1  }
0x1f0: {  	[sflag:s1] =	ssyncset.done $0x0  }
0x1f1: {  	[sflag:s1] =	ssyncadd.s32 $0xFFFF8000  }
0x1f2: {  	s1 =	sand.u32 $0x70, s0;
	s2 =	sand.u32 $0x7C00, s0  }
0x1f3: {  	s2 =	sor.u32 s1, s2  }
0x1f4: {  	s1 =	sadd.s32 $0x10, s0;
	[tilespmem:s2+$0x10100] =	vst v34  }
.LBB2_54:
0x1f5: {  	p0 =	sne.s32 s1, $0xFF0  }
.Ltmp35:
0x1f6: {  	_ = 	snop;
	(pc) =	sbr.rel @p0 .LBB2_54-.Ltmp35, $4  }
0x1f7: {  	s0 =	sadd.s32 $0x80, s0  }
0x1f8: {  	s2 =	sand.u32 $0x70, s1;
	s4 =	sand.u32 $0x7C00, s0  }
0x1f9: {  	s2 =	sor.u32 s2, s4  }
0x1fa: {  	s1 =	sadd.s32 $0x10, s1;
	[tilespmem:s2+$0x10100] =	vst v34  }
.LBB2_55:
0x1fb: {  	s0 =	rddreg [dreg:$0x1a]  }
0x1fc: {  	p0 =	slt.u32 s0, $0x800003E8  }
.Ltmp36:
0x1fd: {  	_ = 	snop;
	(pc) =	sbr.rel @p0 .LBB2_58-.Ltmp36, $2  }
0x1fe: {  	_ =	sdelay $0x2  }
0x1ff: {  	s0 =	simm.s32 $0x0  }
0x200: {  	s1 =	sand.u32 $0x70, s0;
	s2 =	sand.u32 $0x7C00, s0  }
0x201: {  	s2 =	sor.u32 s1, s2  }
0x202: {  	s1 =	sadd.s32 $0x10, s0;
	[tilespmem:s2+$0x10180] =	vst v34  }
.LBB2_57:
0x203: {  	p0 =	sne.s32 s1, $0xFF0  }
.Ltmp37:
0x204: {  	_ = 	snop;
	(pc) =	sbr.rel @p0 .LBB2_57-.Ltmp37, $4  }
0x205: {  	s0 =	sadd.s32 $0x80, s0  }
0x206: {  	s2 =	sand.u32 $0x70, s1;
	s4 =	sand.u32 $0x7C00, s0  }
0x207: {  	s2 =	sor.u32 s2, s4  }
0x208: {  	s1 =	sadd.s32 $0x10, s1;
	[tilespmem:s2+$0x10180] =	vst v34  }
.LBB2_58:
0x209: {  	s0 =	rddreg [dreg:$0x19]  }
0x20a: {  	p0 =	slt.u32 s0, $0x800003E8  }
.Ltmp38:
0x20b: {  	_ = 	snop;
	(pc) =	sbr.rel @p0 .LBB2_61-.Ltmp38, $2  }
0x20c: {  	_ =	sdelay $0x2  }
0x20d: {  	s0 =	simm.s32 $0x0  }
0x20e: {  	s1 =	sand.u32 $0x70, s0;
	s2 =	sand.u32 $0x7C00, s0  }
0x20f: {  	s2 =	sor.u32 s1, s2  }
0x210: {  	s1 =	sadd.s32 $0x10, s0;
	[tilespmem:s2+$0x10200] =	vst v34  }
.LBB2_60:
0x211: {  	p0 =	sne.s32 s1, $0xFF0  }
.Ltmp39:
0x212: {  	_ = 	snop;
	(pc) =	sbr.rel @p0 .LBB2_60-.Ltmp39, $4  }
0x213: {  	s0 =	sadd.s32 $0x80, s0  }
0x214: {  	s2 =	sand.u32 $0x70, s1;
	s4 =	sand.u32 $0x7C00, s0  }
0x215: {  	s2 =	sor.u32 s2, s4  }
0x216: {  	s1 =	sadd.s32 $0x10, s1;
	[tilespmem:s2+$0x10200] =	vst v34  }
.LBB2_61:
0x217: {  	s0 =	rddreg [dreg:$0x18]  }
0x218: {  	p0 =	slt.u32 s0, $0x800003E8  }
.Ltmp40:
0x219: {  	_ = 	snop;
	(pc) =	sbr.rel @p0 .LBB2_64-.Ltmp40, $2  }
0x21a: {  	_ =	sdelay $0x2  }
0x21b: {  	s0 =	simm.s32 $0x0  }
0x21c: {  	s1 =	sand.u32 $0x70, s0;
	s2 =	sand.u32 $0x7C00, s0  }
0x21d: {  	s2 =	sor.u32 s1, s2  }
0x21e: {  	s1 =	sadd.s32 $0x10, s0;
	[tilespmem:s2+$0x10280] =	vst v34  }
.LBB2_63:
0x21f: {  	p0 =	sne.s32 s1, $0xFF0  }
.Ltmp41:
0x220: {  	_ = 	snop;
	(pc) =	sbr.rel @p0 .LBB2_63-.Ltmp41, $4  }
0x221: {  	s0 =	sadd.s32 $0x80, s0  }
0x222: {  	s2 =	sand.u32 $0x70, s1;
	s4 =	sand.u32 $0x7C00, s0  }
0x223: {  	s2 =	sor.u32 s2, s4  }
0x224: {  	s1 =	sadd.s32 $0x10, s1;
	[tilespmem:s2+$0x10280] =	vst v34  }
.LBB2_64:
0x225: {  	s0 =	rddreg [dreg:$0x17]  }
0x226: {  	p0 =	slt.u32 s0, $0x800003E8  }
.Ltmp42:
0x227: {  	_ = 	snop;
	(pc) =	sbr.rel @p0 .LBB2_67-.Ltmp42, $2  }
0x228: {  	_ =	sdelay $0x2  }
0x229: {  	s0 =	simm.s32 $0x0  }
0x22a: {  	s1 =	sand.u32 $0x70, s0;
	s2 =	sand.u32 $0x7C00, s0  }
0x22b: {  	s2 =	sor.u32 s1, s2  }
0x22c: {  	s1 =	sadd.s32 $0x10, s0;
	[tilespmem:s2+$0x10300] =	vst v34  }
.LBB2_66:
0x22d: {  	p0 =	sne.s32 s1, $0xFF0  }
.Ltmp43:
0x22e: {  	_ = 	snop;
	(pc) =	sbr.rel @p0 .LBB2_66-.Ltmp43, $4  }
0x22f: {  	s0 =	sadd.s32 $0x80, s0  }
0x230: {  	s2 =	sand.u32 $0x70, s1;
	s4 =	sand.u32 $0x7C00, s0  }
0x231: {  	s2 =	sor.u32 s2, s4  }
0x232: {  	s1 =	sadd.s32 $0x10, s1;
	[tilespmem:s2+$0x10300] =	vst v34  }
.LBB2_67:
0x233: {  	s0 =	rddreg [dreg:$0x16]  }
0x234: {  	p0 =	slt.u32 s0, $0x800003E8  }
.Ltmp44:
0x235: {  	_ = 	snop;
	(pc) =	sbr.rel @p0 .LBB2_70-.Ltmp44, $2  }
0x236: {  	_ =	sdelay $0x2  }
0x237: {  	s0 =	simm.s32 $0x0  }
0x238: {  	s1 =	sand.u32 $0x70, s0;
	s2 =	sand.u32 $0x7C00, s0  }
0x239: {  	s2 =	sor.u32 s1, s2  }
0x23a: {  	s1 =	sadd.s32 $0x10, s0;
	[tilespmem:s2+$0x10380] =	vst v34  }
.LBB2_69:
0x23b: {  	p0 =	sne.s32 s1, $0xFF0  }
.Ltmp45:
0x23c: {  	_ = 	snop;
	(pc) =	sbr.rel @p0 .LBB2_69-.Ltmp45, $4  }
0x23d: {  	s0 =	sadd.s32 $0x80, s0  }
0x23e: {  	s2 =	sand.u32 $0x70, s1;
	s4 =	sand.u32 $0x7C00, s0  }
0x23f: {  	s2 =	sor.u32 s2, s4  }
0x240: {  	s1 =	sadd.s32 $0x10, s1;
	[tilespmem:s2+$0x10380] =	vst v34  }
.LBB2_70:
0x241: {  	s0 =	rddreg [dreg:$0x15]  }
0x242: {  	p0 =	slt.u32 s0, $0x800003E8  }
.Ltmp46:
0x243: {  	_ = 	snop;
	(pc) =	sbr.rel @p0 .LBB2_73-.Ltmp46, $2  }
0x244: {  	_ =	sdelay $0x2  }
0x245: {  	s0 =	simm.s32 $0x0  }
0x246: {  	s1 =	sand.u32 $0x70, s0;
	s2 =	sand.u32 $0x7C00, s0  }
0x247: {  	s2 =	sor.u32 s1, s2  }
0x248: {  	s1 =	sadd.s32 $0x10, s0;
	[tilespmem:s2+$0x10400] =	vst v34  }
.LBB2_72:
0x249: {  	p0 =	sne.s32 s1, $0xFF0  }
.Ltmp47:
0x24a: {  	_ = 	snop;
	(pc) =	sbr.rel @p0 .LBB2_72-.Ltmp47, $4  }
0x24b: {  	s0 =	sadd.s32 $0x80, s0  }
0x24c: {  	s2 =	sand.u32 $0x70, s1;
	s4 =	sand.u32 $0x7C00, s0  }
0x24d: {  	s2 =	sor.u32 s2, s4  }
0x24e: {  	s1 =	sadd.s32 $0x10, s1;
	[tilespmem:s2+$0x10400] =	vst v34  }
.LBB2_73:
0x24f: {  	s0 =	rddreg [dreg:$0x14]  }
0x250: {  	p0 =	slt.u32 s0, $0x800003E8  }
.Ltmp48:
0x251: {  	_ = 	snop;
	(pc) =	sbr.rel @p0 .LBB2_76-.Ltmp48, $2  }
0x252: {  	_ =	sdelay $0x2  }
0x253: {  	s0 =	simm.s32 $0x0  }
0x254: {  	s1 =	sand.u32 $0x70, s0;
	s2 =	sand.u32 $0x7C00, s0  }
0x255: {  	s2 =	sor.u32 s1, s2  }
0x256: {  	s1 =	sadd.s32 $0x10, s0;
	[tilespmem:s2+$0x10480] =	vst v34  }
.LBB2_75:
0x257: {  	p0 =	sne.s32 s1, $0xFF0  }
.Ltmp49:
0x258: {  	_ = 	snop;
	(pc) =	sbr.rel @p0 .LBB2_75-.Ltmp49, $4  }
0x259: {  	s0 =	sadd.s32 $0x80, s0  }
0x25a: {  	s2 =	sand.u32 $0x70, s1;
	s4 =	sand.u32 $0x7C00, s0  }
0x25b: {  	s2 =	sor.u32 s2, s4  }
0x25c: {  	s1 =	sadd.s32 $0x10, s1;
	[tilespmem:s2+$0x10480] =	vst v34  }
.LBB2_76:
0x25d: {  	s0 =	simm.s32 $0x0;
	s1 =	rddreg [dreg:$0x9];
	s2 =	simm.s32 $0x10100  }
0x25e: {  	[hbm4b:s1+s0] =	stream.linear.scatter [tilespmem:s2], [sflag:$0x3], $0x8000, $0x38;
	[tilespmem:$0x18100] =	vst v63  }
0x25f: {  	s1 =	simm.s32 $0x2  }
0x260: {  	_ =	swait.ge [sflag:s1], $0x8000  }
0x261: {  	s4 =	rddreg [dreg:$0x13]  }
0x262: {  	p0 =	slt.u32 s4, $0x800003E8  }
.Ltmp50:
0x263: {  	_ = 	snop;
	(pc) =	sbr.rel @p0 .LBB2_79-.Ltmp50, $3  }
0x264: {  	_ =	sdelay $0x1  }
0x265: {  	[sflag:s1] =	ssyncset.done $0x0  }
0x266: {  	[sflag:s1] =	ssyncadd.s32 $0xFFFF8000  }
0x267: {  	s1 =	sand.u32 $0x70, s0;
	s2 =	sand.u32 $0x7C00, s0  }
0x268: {  	s2 =	sor.u32 s1, s2  }
0x269: {  	s1 =	sadd.s32 $0x10, s0;
	[tilespmem:s2+$0x100] =	vst v34  }
.LBB2_78:
0x26a: {  	p0 =	sne.s32 s1, $0xFF0  }
.Ltmp51:
0x26b: {  	_ = 	snop;
	(pc) =	sbr.rel @p0 .LBB2_78-.Ltmp51, $4  }
0x26c: {  	s0 =	sadd.s32 $0x80, s0  }
0x26d: {  	s2 =	sand.u32 $0x70, s1;
	s4 =	sand.u32 $0x7C00, s0  }
0x26e: {  	s2 =	sor.u32 s2, s4  }
0x26f: {  	s1 =	sadd.s32 $0x10, s1;
	[tilespmem:s2+$0x100] =	vst v34  }
.LBB2_79:
0x270: {  	s0 =	rddreg [dreg:$0x12]  }
0x271: {  	p0 =	slt.u32 s0, $0x800003E8  }
.Ltmp52:
0x272: {  	_ = 	snop;
	(pc) =	sbr.rel @p0 .LBB2_82-.Ltmp52, $2  }
0x273: {  	_ =	sdelay $0x2  }
0x274: {  	s0 =	simm.s32 $0x0  }
0x275: {  	s1 =	sand.u32 $0x70, s0;
	s2 =	sand.u32 $0x7C00, s0  }
0x276: {  	s2 =	sor.u32 s1, s2  }
0x277: {  	s1 =	sadd.s32 $0x10, s0;
	[tilespmem:s2+$0x180] =	vst v34  }
.LBB2_81:
0x278: {  	p0 =	sne.s32 s1, $0xFF0  }
.Ltmp53:
0x279: {  	_ = 	snop;
	(pc) =	sbr.rel @p0 .LBB2_81-.Ltmp53, $4  }
0x27a: {  	s0 =	sadd.s32 $0x80, s0  }
0x27b: {  	s2 =	sand.u32 $0x70, s1;
	s4 =	sand.u32 $0x7C00, s0  }
0x27c: {  	s2 =	sor.u32 s2, s4  }
0x27d: {  	s1 =	sadd.s32 $0x10, s1;
	[tilespmem:s2+$0x180] =	vst v34  }
.LBB2_82:
0x27e: {  	s0 =	rddreg [dreg:$0x11]  }
0x27f: {  	p0 =	slt.u32 s0, $0x800003E8  }
.Ltmp54:
0x280: {  	_ = 	snop;
	(pc) =	sbr.rel @p0 .LBB2_85-.Ltmp54, $2  }
0x281: {  	_ =	sdelay $0x2  }
0x282: {  	s0 =	simm.s32 $0x0  }
0x283: {  	s1 =	sand.u32 $0x70, s0;
	s2 =	sand.u32 $0x7C00, s0  }
0x284: {  	s2 =	sor.u32 s1, s2  }
0x285: {  	s1 =	sadd.s32 $0x10, s0;
	[tilespmem:s2+$0x200] =	vst v34  }
.LBB2_84:
0x286: {  	p0 =	sne.s32 s1, $0xFF0  }
.Ltmp55:
0x287: {  	_ = 	snop;
	(pc) =	sbr.rel @p0 .LBB2_84-.Ltmp55, $4  }
0x288: {  	s0 =	sadd.s32 $0x80, s0  }
0x289: {  	s2 =	sand.u32 $0x70, s1;
	s4 =	sand.u32 $0x7C00, s0  }
0x28a: {  	s2 =	sor.u32 s2, s4  }
0x28b: {  	s1 =	sadd.s32 $0x10, s1;
	[tilespmem:s2+$0x200] =	vst v34  }
.LBB2_85:
0x28c: {  	s0 =	rddreg [dreg:$0x10]  }
0x28d: {  	p0 =	slt.u32 s0, $0x800003E8  }
.Ltmp56:
0x28e: {  	_ = 	snop;
	(pc) =	sbr.rel @p0 .LBB2_88-.Ltmp56, $2  }
0x28f: {  	_ =	sdelay $0x2  }
0x290: {  	s0 =	simm.s32 $0x0  }
0x291: {  	s1 =	sand.u32 $0x70, s0;
	s2 =	sand.u32 $0x7C00, s0  }
0x292: {  	s2 =	sor.u32 s1, s2  }
0x293: {  	s1 =	sadd.s32 $0x10, s0;
	[tilespmem:s2+$0x280] =	vst v34  }
.LBB2_87:
0x294: {  	p0 =	sne.s32 s1, $0xFF0  }
.Ltmp57:
0x295: {  	_ = 	snop;
	(pc) =	sbr.rel @p0 .LBB2_87-.Ltmp57, $4  }
0x296: {  	s0 =	sadd.s32 $0x80, s0  }
0x297: {  	s2 =	sand.u32 $0x70, s1;
	s4 =	sand.u32 $0x7C00, s0  }
0x298: {  	s2 =	sor.u32 s2, s4  }
0x299: {  	s1 =	sadd.s32 $0x10, s1;
	[tilespmem:s2+$0x280] =	vst v34  }
.LBB2_88:
0x29a: {  	s0 =	rddreg [dreg:$0xf]  }
0x29b: {  	p0 =	slt.u32 s0, $0x800003E8  }
.Ltmp58:
0x29c: {  	_ = 	snop;
	(pc) =	sbr.rel @p0 .LBB2_91-.Ltmp58, $2  }
0x29d: {  	_ =	sdelay $0x2  }
0x29e: {  	s0 =	simm.s32 $0x0  }
0x29f: {  	s1 =	sand.u32 $0x70, s0;
	s2 =	sand.u32 $0x7C00, s0  }
0x2a0: {  	s2 =	sor.u32 s1, s2  }
0x2a1: {  	s1 =	sadd.s32 $0x10, s0;
	[tilespmem:s2+$0x300] =	vst v34  }
.LBB2_90:
0x2a2: {  	p0 =	sne.s32 s1, $0xFF0  }
.Ltmp59:
0x2a3: {  	_ = 	snop;
	(pc) =	sbr.rel @p0 .LBB2_90-.Ltmp59, $4  }
0x2a4: {  	s0 =	sadd.s32 $0x80, s0  }
0x2a5: {  	s2 =	sand.u32 $0x70, s1;
	s4 =	sand.u32 $0x7C00, s0  }
0x2a6: {  	s2 =	sor.u32 s2, s4  }
0x2a7: {  	s1 =	sadd.s32 $0x10, s1;
	[tilespmem:s2+$0x300] =	vst v34  }
.LBB2_91:
0x2a8: {  	s0 =	rddreg [dreg:$0xe]  }
0x2a9: {  	p0 =	slt.u32 s0, $0x800003E8  }
.Ltmp60:
0x2aa: {  	_ = 	snop;
	(pc) =	sbr.rel @p0 .LBB2_94-.Ltmp60, $2  }
0x2ab: {  	_ =	sdelay $0x2  }
0x2ac: {  	s0 =	simm.s32 $0x0  }
0x2ad: {  	s1 =	sand.u32 $0x70, s0;
	s2 =	sand.u32 $0x7C00, s0  }
0x2ae: {  	s2 =	sor.u32 s1, s2  }
0x2af: {  	s1 =	sadd.s32 $0x10, s0;
	[tilespmem:s2+$0x380] =	vst v34  }
.LBB2_93:
0x2b0: {  	p0 =	sne.s32 s1, $0xFF0  }
.Ltmp61:
0x2b1: {  	_ = 	snop;
	(pc) =	sbr.rel @p0 .LBB2_93-.Ltmp61, $4  }
0x2b2: {  	s0 =	sadd.s32 $0x80, s0  }
0x2b3: {  	s2 =	sand.u32 $0x70, s1;
	s4 =	sand.u32 $0x7C00, s0  }
0x2b4: {  	s2 =	sor.u32 s2, s4  }
0x2b5: {  	s1 =	sadd.s32 $0x10, s1;
	[tilespmem:s2+$0x380] =	vst v34  }
.LBB2_94:
0x2b6: {  	s0 =	rddreg [dreg:$0xd]  }
0x2b7: {  	p0 =	slt.u32 s0, $0x800003E8  }
.Ltmp62:
0x2b8: {  	_ = 	snop;
	(pc) =	sbr.rel @p0 .LBB2_97-.Ltmp62, $2  }
0x2b9: {  	_ =	sdelay $0x2  }
0x2ba: {  	s0 =	simm.s32 $0x0  }
0x2bb: {  	s1 =	sand.u32 $0x70, s0;
	s2 =	sand.u32 $0x7C00, s0  }
0x2bc: {  	s2 =	sor.u32 s1, s2  }
0x2bd: {  	s1 =	sadd.s32 $0x10, s0;
	[tilespmem:s2+$0x400] =	vst v34  }
.LBB2_96:
0x2be: {  	p0 =	sne.s32 s1, $0xFF0  }
.Ltmp63:
0x2bf: {  	_ = 	snop;
	(pc) =	sbr.rel @p0 .LBB2_96-.Ltmp63, $4  }
0x2c0: {  	s0 =	sadd.s32 $0x80, s0  }
0x2c1: {  	s2 =	sand.u32 $0x70, s1;
	s4 =	sand.u32 $0x7C00, s0  }
0x2c2: {  	s2 =	sor.u32 s2, s4  }
0x2c3: {  	s1 =	sadd.s32 $0x10, s1;
	[tilespmem:s2+$0x400] =	vst v34  }
.LBB2_97:
0x2c4: {  	s0 =	rddreg [dreg:$0xc]  }
0x2c5: {  	p0 =	slt.u32 s0, $0x800003E8  }
.Ltmp64:
0x2c6: {  	_ = 	snop;
	(pc) =	sbr.rel @p0 .LBB2_100-.Ltmp64, $2  }
0x2c7: {  	_ =	sdelay $0x2  }
0x2c8: {  	s0 =	simm.s32 $0x0  }
0x2c9: {  	s1 =	sand.u32 $0x7, s0  }
0x2ca: {  	s1 =	sshll.u32 s1, $0x4  }
0x2cb: {  	s1 =	sadd.s32 s1, s0  }
0x2cc: {  	s2 =	sor.u32 $0x380, s1  }
0x2cd: {  	s1 =	sadd.s32 $0x10, s0;
	[tilespmem:s2+$0x100] =	vst v34;
	s2 =	sadd.s32 $0x1, s0  }
.LBB2_99:
0x2ce: {  	s4 =	sand.u32 $0x7, s2;
	p0 =	sne.s32 s1, $0xFF0;
	s1 =	sadd.s32 $0x10, s1  }
.Ltmp65:
0x2cf: {  	s0 =	sadd.s32 $0x80, s0;
	s4 =	sshll.u32 s4, $0x4;
	(pc) =	sbr.rel @p0 .LBB2_99-.Ltmp65, $4  }
0x2d0: {  	s4 =	sadd.s32 s4, s0  }
0x2d1: {  	s4 =	sor.u32 $0x380, s4  }
0x2d2: {  	[tilespmem:s4+$0x100] =	vst v34  }
0x2d3: {  	s2 =	sadd.s32 $0x1, s2  }
.Ltmp66:
0x2d4: {  	_ = 	snop;
	(pc) =	sbr.rel .LBB2_100-.Ltmp66, $1  }
0x2d5: {  	_ =	sdelay $0x3  }
.LBB2_101:
0x2d6: {  	_ =	sfence.sel $0x180000  }
0x2d7: {  	[bflag:$0x0] =	sbarrier.arrive $0xFFFF  }
0x2d8: {  	_ =	strace $0x90000047  }
0x2d9: {  	s0 =	stileid.u32;
	[bflag:$0x2] =	sbarrier.arrive $0xFFFF  }
0x2da: {  	p0 =	sne.s32 s0, $0x0;
	s0 =	rddreg [dreg:$0x3]  }
0x2db: {  	s0 =	sadd.s32 @!p0 $0x100000, s0  }
0x2dc: {  	[sflag:s0] =	ssyncadd.tile.s32 @!p0 $0x1;
	_ =	shalt  }
.Lfunc_end2:
_tile_overlayer_lowered:
.L_overlay_start_2:
0x2dd: {  	(tag) =	ssettag $0x2  }
0x2de: {  	s0 =	rddreg [dreg:$0x0];
	s2 =	stileid.u32  }
0x2df: {  	s1 =	rddreg [dreg:$0x1];
	p0 =	sne.s32 s2, $0x0  }
0x2e0: {  	s3 =	rddreg [dreg:$0x2];
	[bflag:$0x3] =	sbarrier.arrive $0xFFFF;
	s2 =	simm.s32 @!p0 $0x1C05  }
0x2e1: {  	[timem:s3], [sflag:s2] =	dma.local @!p0 [hbm:s0], s1  }
0x2e2: {  	s0 =	simm.s32 @!p0 $0x5  }
0x2e3: {  	_ =	swait.ge @!p0 [sflag:s0], s1  }
0x2e4: {  	s1 =	ssub.s32 @!p0 $0x0, s1;
	[sflag:s0] =	ssyncset.done @!p0 $0x0  }
0x2e5: {  	[sflag:s0] =	ssyncadd.s32 @!p0 s1  }
0x2e6: {  	[bflag:$0x3] =	sbarrier.arrive $0xFFFF  }
0x2e7: {  	_ =	shalt  }

</sc_bundles>
